<compile_context>
chip_gen: v7x
topology: tpu7x:2x2x1
jax: 0.10.2.dev20260603
libtpu: 0.0.44.dev20260713+nightly
codegen_flags: <defaults>
</compile_context>

<pallas_src>
import functools
import math

import jax
import jax.numpy as jnp
from jax import lax
from jax.experimental import pallas as pl
from jax.experimental.pallas import tpu as pltpu
from jax.experimental.pallas import tpu_sc as plsc

_A, _H, _W, _NCLS = 3, 160, 160, 80
_C = 5 + _NCLS
_N = 2048
_AHW = _A * _H * _W
_EPS = 1e-07
_CLS_W = 0.5
_OBJ_W = 1.0

_NUM_CORES = 2
_NUM_SUBCORES = 16
_NW = _NUM_CORES * _NUM_SUBCORES
_ROWS_PER_W = _N // _NW
_CELLS_PER_W = _AHW // _NW
_LANES = 16


def _sc_build(pred128, gx, gy, ga):
    mesh = plsc.VectorSubcoreMesh(
        core_axis_name="c", subcore_axis_name="s")

    @functools.partial(
        pl.kernel,
        mesh=mesh,
        compiler_params=pltpu.CompilerParams(
            needs_layout_passes=False, use_tc_tiling_on_sc=False),
        out_type=(
            jax.ShapeDtypeStruct((_C, 16, 128), jnp.float32),
            jax.ShapeDtypeStruct((_AHW,), jnp.float32),
        ),
        scratch_types=[
            pltpu.VMEM((_N,), jnp.int32),
            pltpu.VMEM((_N,), jnp.int32),
            pltpu.VMEM((_N,), jnp.int32),
            pltpu.VMEM((_N,), jnp.int32),
            pltpu.VMEM((_ROWS_PER_W,), jnp.int32),
            pltpu.VMEM((_ROWS_PER_W, 128), jnp.float32),
            pltpu.VMEM((_C, 1, _ROWS_PER_W), jnp.float32),
            pltpu.VMEM((_CELLS_PER_W,), jnp.float32),
            pltpu.SemaphoreType.DMA,
            pltpu.SemaphoreType.DMA,
        ],
    )
    def k(pred_hbm, gx_hbm, gy_hbm, ga_hbm, rows_out, mask_out,
          gxv, gyv, gav, linv, idxv, rowsv, extv, maskv, sem, sem2):
        wid = lax.axis_index("s") * _NUM_CORES + lax.axis_index("c")
        lo = pl.multiple_of(wid * _CELLS_PER_W, 8)
        base = pl.multiple_of(wid * _ROWS_PER_W, 8)
        hi = lo + _CELLS_PER_W

        cgx = pltpu.async_copy(gx_hbm, gxv, sem)
        cgy = pltpu.async_copy(gy_hbm, gyv, sem)
        cga = pltpu.async_copy(ga_hbm, gav, sem)

        zeros16 = jnp.zeros((_LANES,), jnp.float32)

        def zbody(i, carry):
            maskv[pl.ds(i * _LANES, _LANES)] = zeros16
            return carry

        lax.fori_loop(0, _CELLS_PER_W // _LANES, zbody, 0)

        cgx.wait()
        cgy.wait()
        cga.wait()

        ones16 = jnp.ones((_LANES,), jnp.float32)
        iota16 = lax.iota(jnp.int32, _LANES)

        def fbody(j, carry):
            sl = pl.ds(j * _LANES, _LANES)
            lin = gav[sl] * (_H * _W) + gyv[sl] * _W + gxv[sl]
            linv[sl] = lin
            inb = (lin >= lo) & (lin < hi)
            off = jnp.clip(lin - lo, 0, _CELLS_PER_W - 1)
            plsc.store_scatter(maskv, [off], ones16, mask=inb)
            return carry

        lax.fori_loop(0, _N // _LANES, fbody, 0)

        for j in range(_ROWS_PER_W // _LANES):
            idxv[pl.ds(j * _LANES, _LANES)] = linv[pl.ds(base + j * _LANES, _LANES)]

        cmask = pltpu.async_copy(
            maskv, mask_out.at[pl.ds(lo, _CELLS_PER_W)], sem2)
        pltpu.async_copy(pred_hbm.at[idxv], rowsv, sem).wait()

        zero16 = jnp.zeros((_LANES,), jnp.int32)

        def ebody(c, carry):
            cv = zero16 + c
            for j in range(_ROWS_PER_W // _LANES):
                tv = iota16 + (j * _LANES)
                v = plsc.load_gather(rowsv, [tv, cv])
                plsc.store_scatter(extv, [cv, zero16, tv], v)
            return carry

        lax.fori_loop(0, _C, ebody, 0)

        pltpu.sync_copy(
            extv,
            rows_out.at[:, pl.ds(wid // 2, 1),
                        pl.ds((wid % 2) * _ROWS_PER_W, _ROWS_PER_W)])
        cmask.wait()

    return k(pred128, gx, gy, ga)


_PREP_BLOCKS = 8
_PREP_ROWS = _AHW // _PREP_BLOCKS


def _prep_body(pred_ref, p128_ref, p4_ref, s1_ref):
    x = pred_ref[...]
    p128_ref[:, 0:_C] = x
    c4 = jnp.reshape(x[:, 4:5], (_PREP_ROWS // 128, 128))
    p4_ref[pl.ds(pl.program_id(0) * (_PREP_ROWS // 128),
                 _PREP_ROWS // 128), :] = c4
    s = jnp.sum(_softplus(c4))

    @pl.when(pl.program_id(0) == 0)
    def _init():
        s1_ref[0, 0] = s

    @pl.when(pl.program_id(0) != 0)
    def _acc():
        s1_ref[0, 0] += s


def _tc_prep(pred_flat):
    return pl.pallas_call(
        _prep_body,
        grid=(_PREP_BLOCKS,),
        in_specs=[pl.BlockSpec((_PREP_ROWS, _C), lambda i: (i, 0))],
        out_specs=(
            pl.BlockSpec((_PREP_ROWS, 128), lambda i: (i, 0)),
            pl.BlockSpec((600, 128), lambda i: (0, 0)),
            pl.BlockSpec(memory_space=pltpu.SMEM, block_shape=(1, 1),
                         index_map=lambda i: (0, 0)),
        ),
        out_shape=(
            jax.ShapeDtypeStruct((_AHW, 128), jnp.float32),
            jax.ShapeDtypeStruct((600, 128), jnp.float32),
            jax.ShapeDtypeStruct((1, 1), jnp.float32),
        ),
    )(pred_flat)


def _atan(x):
    ax = jnp.abs(x)
    seg2 = ax > 2.414213562373095
    seg1 = ax > 0.4142135623730950
    den2 = jnp.where(seg2, ax, 1.0)
    t = jnp.where(seg2, -1.0 / den2,
                  jnp.where(seg1, (ax - 1.0) / (ax + 1.0), ax))
    z = t * t
    p = (((8.05374449538e-2 * z - 1.38776856032e-1) * z
          + 1.99777106478e-1) * z - 3.33329491539e-1) * z * t + t
    y = p + jnp.where(seg2, math.pi / 2,
                      jnp.where(seg1, math.pi / 4, 0.0))
    return jnp.where(x < 0, -y, y)


def _softplus(x):
    return jnp.maximum(x, 0.0) + jnp.log(1.0 + jnp.exp(-jnp.abs(x)))


def _loss_body(s1_ref, pred4_ref, mask_ref, rows_ref, boxes_ref, cls_ref,
               out_ref):
    x = pred4_ref[...]
    m = mask_ref[...]
    s_obj = s1_ref[0, 0] - jnp.sum(x * m)

    cl = rows_ref[5:_C]
    tgt = cls_ref[...]
    cidx = lax.broadcasted_iota(jnp.int32, (_NCLS, 16, 128), 0)
    onehot = jnp.where(cidx == tgt[None], 1.0, 0.0)
    s_cls = jnp.sum(_softplus(cl) - cl * onehot)

    b1x1 = rows_ref[0]
    b1y1 = rows_ref[1]
    b1x2 = rows_ref[2]
    b1y2 = rows_ref[3]
    b2x1 = boxes_ref[0]
    b2y1 = boxes_ref[1]
    b2x2 = boxes_ref[2]
    b2y2 = boxes_ref[3]
    ix = jnp.clip(jnp.minimum(b1x2, b2x2) - jnp.maximum(b1x1, b2x1), 0.0)
    iy = jnp.clip(jnp.minimum(b1y2, b2y2) - jnp.maximum(b1y1, b2y1), 0.0)
    inter = ix * iy
    w1, h1 = b1x2 - b1x1, b1y2 - b1y1
    w2, h2 = b2x2 - b2x1, b2y2 - b2y1
    union = w1 * h1 + w2 * h2 - inter + _EPS
    iou = inter / union
    cw = jnp.maximum(b1x2, b2x2) - jnp.minimum(b1x1, b2x1)
    ch = jnp.maximum(b1y2, b2y2) - jnp.minimum(b1y1, b2y1)
    c2 = cw * cw + ch * ch + _EPS
    rho2 = ((b2x1 + b2x2) - (b1x1 + b1x2)) ** 2 / 4.0 + \
           ((b2y1 + b2y2) - (b1y1 + b1y2)) ** 2 / 4.0
    v = (4.0 / (math.pi ** 2)) * (_atan(w2 / (h2 + _EPS)) -
                                  _atan(w1 / (h1 + _EPS))) ** 2
    alpha = v / (v - iou + (1.0 + _EPS))
    ciou = iou - (rho2 / c2 + alpha * v)
    s_box = jnp.sum(1.0 - ciou)

    total = (_OBJ_W * s_obj / _AHW
             + s_box / _N
             + _CLS_W * s_cls / (_N * _NCLS))
    out_ref[0, 0] = total


def _tc_loss(s1, pred4, mask2, rows_t, boxes_t, cls16):
    return pl.pallas_call(
        _loss_body,
        in_specs=[
            pl.BlockSpec(memory_space=pltpu.SMEM),
            pl.BlockSpec(memory_space=pltpu.VMEM),
            pl.BlockSpec(memory_space=pltpu.VMEM),
            pl.BlockSpec(memory_space=pltpu.VMEM),
            pl.BlockSpec(memory_space=pltpu.VMEM),
            pl.BlockSpec(memory_space=pltpu.VMEM),
        ],
        out_shape=jax.ShapeDtypeStruct((1, 1), jnp.float32),
        out_specs=pl.BlockSpec(memory_space=pltpu.SMEM),
    )(s1, pred4, mask2, rows_t, boxes_t, cls16)


def kernel(pred, boxes, grid_x, grid_y, grid_anchor, cls_target):
    pred_flat = pred.reshape(_AHW, _C)
    pred128, pred4, s1 = _tc_prep(pred_flat)
    rows_t, mask = _sc_build(pred128, grid_x, grid_y, grid_anchor)
    mask2 = mask.reshape(600, 128)
    boxes_t = boxes.T.reshape(4, 16, 128)
    cls16 = cls_target.reshape(16, 128)
    total = _tc_loss(s1, pred4, mask2, rows_t, boxes_t, cls16)
    return total[0, 0]

# --- scband reference (transcript-rebuilt; emitter-appended) ---
"""Pipeline reference for scband-yolo-loss-19636590477960 (READ-ONLY COPY).

The authoritative reference and input builder live on the scoring server;
editing this copy changes nothing except your own understanding.
"""

import jax, jax.numpy as jnp
import numpy as np

A, H, W, NC = 3, 160, 160, 80
N = 2048
EPS = 1e-07
CLS_W = 0.5
OBJ_W = 1.0


def setup_inputs(seed: int = 0) -> dict:
    key = jax.random.key(seed)
    k1, k2, k3, k4, k5, k6, k7 = jax.random.split(key, 7)
    pred = jax.random.normal(k1, (A, H, W, 5 + NC), dtype=jnp.float32)
    cx = jax.random.uniform(k2, (N,), minval=0.0, maxval=float(W))
    cy = jax.random.uniform(k3, (N,), minval=0.0, maxval=float(H))
    bw = jax.random.uniform(k4, (N,), minval=1.0, maxval=30.0)
    bh = jax.random.uniform(k5, (N,), minval=1.0, maxval=30.0)
    boxes = jnp.stack([cx - bw / 2, cy - bh / 2, cx + bw / 2, cy + bh / 2], axis=1).astype(jnp.float32)
    grid_x = jax.random.randint(k6, (N,), 0, W, dtype=jnp.int64) if jax.config.jax_enable_x64 else jax.random.randint(k6, (N,), 0, W).astype(jnp.int32)
    grid_y = jax.random.randint(jax.random.fold_in(k6, 1), (N,), 0, H).astype(jnp.int32)
    grid_anchor = jax.random.randint(jax.random.fold_in(k6, 2), (N,), 0, A).astype(jnp.int32)
    cls_target = jax.random.randint(k7, (N,), 0, NC).astype(jnp.int32)
    grid_x = jnp.asarray(grid_x).astype(jnp.int32)
    return {"pred": pred, "boxes": boxes, "grid_x": grid_x, "grid_y": grid_y, "grid_anchor": grid_anchor, "cls_target": cls_target}


def _bce_with_logits_mean(logits, targets):
    return jnp.mean(jnp.maximum(logits, 0.0) - logits * targets + jnp.log1p(jnp.exp(-jnp.abs(logits))))


def _bbox_ciou(box1, box2, eps=EPS):
    b1_x1, b1_y1, b1_x2, b1_y2 = box1[:, 0], box1[:, 1], box1[:, 2], box1[:, 3]
    b2_x1, b2_y1, b2_x2, b2_y2 = box2[:, 0], box2[:, 1], box2[:, 2], box2[:, 3]
    inter_x1 = jnp.maximum(b1_x1[:, None], b2_x1[None, :])
    inter_y1 = jnp.maximum(b1_y1[:, None], b2_y1[None, :])
    inter_x2 = jnp.minimum(b1_x2[:, None], b2_x2[None, :])
    inter_y2 = jnp.minimum(b1_y2[:, None], b2_y2[None, :])
    inter = jnp.clip(inter_x2 - inter_x1, 0.0) * jnp.clip(inter_y2 - inter_y1, 0.0)
    w1, h1 = b1_x2 - b1_x1, b1_y2 - b1_y1
    w2, h2 = b2_x2 - b2_x1, b2_y2 - b2_y1
    union = (w1 * h1)[:, None] + (w2 * h2)[None, :] - inter + eps
    iou = inter / union
    cw = jnp.maximum(b1_x2[:, None], b2_x2[None, :]) - jnp.minimum(b1_x1[:, None], b2_x1[None, :])
    ch = jnp.maximum(b1_y2[:, None], b2_y2[None, :]) - jnp.minimum(b1_y1[:, None], b2_y1[None, :])
    c2 = cw * cw + ch * ch + eps
    rho2 = ((b2_x1 + b2_x2)[None, :] - (b1_x1 + b1_x2)[:, None]) ** 2 / 4.0 + ((b2_y1 + b2_y2)[None, :] - (b1_y1 + b1_y2)[:, None]) ** 2 / 4.0
    v = (4.0 / (np.pi ** 2)) * (jnp.arctan(w2 / (h2 + eps))[None, :] - jnp.arctan(w1 / (h1 + eps))[:, None]) ** 2
    alpha = v / (v - iou + (1.0 + eps))
    alpha = jax.lax.stop_gradient(alpha)
    return iou - (rho2 / c2 + alpha * v)


def reference(pred, boxes, grid_x, grid_y, grid_anchor, cls_target):
    obj_target = jnp.zeros_like(pred[..., 4]).at[grid_anchor, grid_y, grid_x].set(1.0)
    loss_obj = _bce_with_logits_mean(pred[..., 4], obj_target)
    pr = pred[grid_anchor, grid_y, grid_x, :4]
    ciou = _bbox_ciou(pr, boxes)
    loss_box = jnp.mean(1.0 - jnp.diagonal(ciou))
    pred_cls = pred[grid_anchor, grid_y, grid_x, 5:]
    cls_onehot = jax.nn.one_hot(cls_target, NC, dtype=pred.dtype)
    loss_cls = _bce_with_logits_mean(pred_cls, cls_onehot)
    total = OBJ_W * loss_obj + loss_box + CLS_W * loss_cls
    return total

if __name__ == "__main__":
    import jax
    _d = setup_inputs()
    print(jax.jit(kernel)(*tuple(_d.values())))

</pallas_src>

<mosaic_0001>
#map = affine_map<(d0, d1) -> (0, 0)>
#map1 = affine_map<(d0, d1) -> (0)>
#map2 = affine_map<(d0, d1) -> (0, 0, 0)>
module attributes {stable_mosaic.version = 14 : i64} {
  func.func @k(%arg0: i32, %arg1: i32, %arg2: memref<76800x128xf32, #tpu.memory_space<hbm>>, %arg3: memref<2048xi32, #tpu.memory_space<hbm>>, %arg4: memref<2048xi32, #tpu.memory_space<hbm>>, %arg5: memref<2048xi32, #tpu.memory_space<hbm>>, %arg6: memref<85x16x128xf32, #tpu.memory_space<hbm>>, %arg7: memref<76800xf32, #tpu.memory_space<hbm>>, %arg8: memref<2048xi32, #tpu.memory_space<vmem>>, %arg9: memref<2048xi32, #tpu.memory_space<vmem>>, %arg10: memref<2048xi32, #tpu.memory_space<vmem>>, %arg11: memref<2048xi32, #tpu.memory_space<vmem>>, %arg12: memref<64xi32, #tpu.memory_space<vmem>>, %arg13: memref<64x128xf32, #tpu.memory_space<vmem>>, %arg14: memref<85x1x64xf32, #tpu.memory_space<vmem>>, %arg15: memref<2400xf32, #tpu.memory_space<vmem>>, %arg16: memref<!tpu.dma_semaphore, #tpu.memory_space<semaphore_mem>>, %arg17: memref<!tpu.dma_semaphore, #tpu.memory_space<semaphore_mem>>) attributes {dimension_semantics = [#tpu.dimension_semantics<core_parallel>, #tpu.dimension_semantics<subcore_parallel>], iteration_bounds = array<i64: 2, 16>, scalar_prefetch = 0 : i64, scratch_operands = 10 : i64, tpu.core_type = #tpu.core_type<sc_vector_subcore>, window_params = [{transform_indices = #map}, {transform_indices = #map1}, {transform_indices = #map1}, {transform_indices = #map1}, {transform_indices = #map2}, {transform_indices = #map1}]} {
    %mul3A = arith.constant 2 : i32
    %mul3A_0 = arith.muli %arg1, %mul3A : i32
    %add3A = arith.addi %mul3A_0, %arg0 : i32
    %mul3A_1 = arith.constant 2400 : i32
    %mul3A_2 = arith.muli %add3A, %mul3A_1 : i32
    %multiple_of3A = tpu.assume_multiple %mul3A_2, 8 : i32
    %mul3A_3 = arith.constant 64 : i32
    %mul3A_4 = arith.muli %add3A, %mul3A_3 : i32
    %multiple_of3A_5 = tpu.assume_multiple %mul3A_4, 8 : i32
    %add3A_6 = arith.constant 2400 : i32
    %add3A_7 = arith.addi %multiple_of3A, %add3A_6 : i32
    tpu.enqueue_dma source(%arg3 : memref<2048xi32, #tpu.memory_space<hbm>>) target(%arg8 : memref<2048xi32, #tpu.memory_space<vmem>>) target_semaphore(%arg16 : memref<!tpu.dma_semaphore, #tpu.memory_space<semaphore_mem>>)
    tpu.enqueue_dma source(%arg4 : memref<2048xi32, #tpu.memory_space<hbm>>) target(%arg9 : memref<2048xi32, #tpu.memory_space<vmem>>) target_semaphore(%arg16 : memref<!tpu.dma_semaphore, #tpu.memory_space<semaphore_mem>>)
    tpu.enqueue_dma source(%arg5 : memref<2048xi32, #tpu.memory_space<hbm>>) target(%arg10 : memref<2048xi32, #tpu.memory_space<vmem>>) target_semaphore(%arg16 : memref<!tpu.dma_semaphore, #tpu.memory_space<semaphore_mem>>)
    %broadcast_in_dim3A = arith.constant 0.000000e+00 : f32
    %broadcast_in_dim3A_8 = vector.broadcast %broadcast_in_dim3A : f32 to vector<16xf32>
    %scan3A = arith.constant 0 : i32
    %scan3A_9 = arith.constant 0 : i32
    %scan3A_10 = arith.constant 150 : i32
    %scan3A_11 = arith.addi %scan3A_9, %scan3A_10 : i32
    %scan3A_12 = arith.constant 1 : i32
    scf.for %scan3A_92 = %scan3A_9 to %scan3A_11 step %scan3A_12  : i32 {
      %mul3A_93 = arith.constant 16 : i32
      %mul3A_94 = arith.muli %scan3A_92, %mul3A_93 : i32
      %swap3A_95 = arith.index_cast %mul3A_94 : i32 to index
      %swap3A_96 = tpu.vector_load %arg15[%swap3A_95] {strides = array<i32>} : memref<2400xf32, #tpu.memory_space<vmem>>, vector<16xf32>,
      tpu.vector_store %arg15[%swap3A_95], %broadcast_in_dim3A_8 {strides = array<i32>} : memref<2400xf32, #tpu.memory_space<vmem>>, vector<16xf32>,
    }
    %scan3A_13 = arith.constant 150 : i32
    tpu.wait_dma2 semaphore(%arg16 : memref<!tpu.dma_semaphore, #tpu.memory_space<semaphore_mem>>) src(%arg3 : memref<2048xi32, #tpu.memory_space<hbm>>) dst(%arg8 : memref<2048xi32, #tpu.memory_space<vmem>>)
    tpu.wait_dma2 semaphore(%arg16 : memref<!tpu.dma_semaphore, #tpu.memory_space<semaphore_mem>>) src(%arg4 : memref<2048xi32, #tpu.memory_space<hbm>>) dst(%arg9 : memref<2048xi32, #tpu.memory_space<vmem>>)
    tpu.wait_dma2 semaphore(%arg16 : memref<!tpu.dma_semaphore, #tpu.memory_space<semaphore_mem>>) src(%arg5 : memref<2048xi32, #tpu.memory_space<hbm>>) dst(%arg10 : memref<2048xi32, #tpu.memory_space<vmem>>)
    %broadcast_in_dim3A_14 = arith.constant 1.000000e+00 : f32
    %broadcast_in_dim3A_15 = vector.broadcast %broadcast_in_dim3A_14 : f32 to vector<16xf32>
    %iota3A = tpu.iota {dimensions = array<i32: 0>} : vector<16xi32>
    %scan3A_16 = arith.constant 0 : i32
    %scan3A_17 = arith.constant 0 : i32
    %scan3A_18 = arith.constant 128 : i32
    %scan3A_19 = arith.addi %scan3A_17, %scan3A_18 : i32
    %scan3A_20 = arith.constant 1 : i32
    scf.for %scan3A_92 = %scan3A_17 to %scan3A_19 step %scan3A_20  : i32 {
      %mul3A_93 = arith.constant 16 : i32
      %mul3A_94 = arith.muli %scan3A_92, %mul3A_93 : i32
      %get3A_95 = arith.index_cast %mul3A_94 : i32 to index
      %get3A_96 = tpu.vector_load %arg10[%get3A_95] {strides = array<i32>} : memref<2048xi32, #tpu.memory_space<vmem>>, vector<16xi32>,
      %mul3A_97 = arith.constant 25600 : i32
      %mul3A_98 = vector.broadcast %mul3A_97 : i32 to vector<16xi32>
      %mul3A_99 = arith.muli %get3A_96, %mul3A_98 : vector<16xi32>
      %get3A_100 = arith.index_cast %mul3A_94 : i32 to index
      %get3A_101 = tpu.vector_load %arg9[%get3A_100] {strides = array<i32>} : memref<2048xi32, #tpu.memory_space<vmem>>, vector<16xi32>,
      %mul3A_102 = arith.constant 160 : i32
      %mul3A_103 = vector.broadcast %mul3A_102 : i32 to vector<16xi32>
      %mul3A_104 = arith.muli %get3A_101, %mul3A_103 : vector<16xi32>
      %add3A_105 = arith.addi %mul3A_99, %mul3A_104 : vector<16xi32>
      %get3A_106 = arith.index_cast %mul3A_94 : i32 to index
      %get3A_107 = tpu.vector_load %arg8[%get3A_106] {strides = array<i32>} : memref<2048xi32, #tpu.memory_space<vmem>>, vector<16xi32>,
      %add3A_108 = arith.addi %add3A_105, %get3A_107 : vector<16xi32>
      %swap3A_109 = arith.index_cast %mul3A_94 : i32 to index
      %swap3A_110 = tpu.vector_load %arg11[%swap3A_109] {strides = array<i32>} : memref<2048xi32, #tpu.memory_space<vmem>>, vector<16xi32>,
      tpu.vector_store %arg11[%swap3A_109], %add3A_108 {strides = array<i32>} : memref<2048xi32, #tpu.memory_space<vmem>>, vector<16xi32>,
      %ge3A = vector.broadcast %multiple_of3A : i32 to vector<16xi32>
      %ge3A_111 = arith.cmpi sge, %add3A_108, %ge3A : vector<16xi32>
      %lt3A_112 = vector.broadcast %add3A_7 : i32 to vector<16xi32>
      %lt3A_113 = arith.cmpi slt, %add3A_108, %lt3A_112 : vector<16xi32>
      %and3A_114 = arith.andi %ge3A_111, %lt3A_113 : vector<16xi1>
      %sub3A_115 = vector.broadcast %multiple_of3A : i32 to vector<16xi32>
      %sub3A_116 = arith.subi %add3A_108, %sub3A_115 : vector<16xi32>
      %jit3A_117 = arith.constant 0 : i32
      %jit3A_118 = arith.constant 2399 : i32
      %max3A = vector.broadcast %jit3A_117 : i32 to vector<16xi32>
      %max3A_119 = arith.maxsi %max3A, %sub3A_116 : vector<16xi32>
      %min3A = vector.broadcast %jit3A_118 : i32 to vector<16xi32>
      %min3A_120 = arith.minsi %min3A, %max3A_119 : vector<16xi32>
      tpu.vector_store_idx %arg15[%min3A_120], %broadcast_in_dim3A_15 masked %and3A_114 : memref<2400xf32, #tpu.memory_space<vmem>>[vector<16xi32>], vector<16xf32>, vector<16xi1>
    }
    %scan3A_21 = arith.constant 128 : i32
    %add3A_22 = arith.constant 0 : i32
    %add3A_23 = arith.addi %multiple_of3A_5, %add3A_22 : i32
    %get3A = arith.index_cast %add3A_23 : i32 to index
    %get3A_24 = tpu.vector_load %arg11[%get3A] {strides = array<i32>} : memref<2048xi32, #tpu.memory_space<vmem>>, vector<16xi32>,
    %swap3A = arith.constant 0 : index
    %swap3A_25 = tpu.vector_load %arg12[%swap3A] {strides = array<i32>} : memref<64xi32, #tpu.memory_space<vmem>>, vector<16xi32>,
    tpu.vector_store %arg12[%swap3A], %get3A_24 {strides = array<i32>} : memref<64xi32, #tpu.memory_space<vmem>>, vector<16xi32>,
    %add3A_26 = arith.constant 16 : i32
    %add3A_27 = arith.addi %multiple_of3A_5, %add3A_26 : i32
    %get3A_28 = arith.index_cast %add3A_27 : i32 to index
    %get3A_29 = tpu.vector_load %arg11[%get3A_28] {strides = array<i32>} : memref<2048xi32, #tpu.memory_space<vmem>>, vector<16xi32>,
    %swap3A_30 = arith.constant 16 : index
    %swap3A_31 = tpu.vector_load %arg12[%swap3A_30] {strides = array<i32>} : memref<64xi32, #tpu.memory_space<vmem>>, vector<16xi32>,
    tpu.vector_store %arg12[%swap3A_30], %get3A_29 {strides = array<i32>} : memref<64xi32, #tpu.memory_space<vmem>>, vector<16xi32>,
    %add3A_32 = arith.constant 32 : i32
    %add3A_33 = arith.addi %multiple_of3A_5, %add3A_32 : i32
    %get3A_34 = arith.index_cast %add3A_33 : i32 to index
    %get3A_35 = tpu.vector_load %arg11[%get3A_34] {strides = array<i32>} : memref<2048xi32, #tpu.memory_space<vmem>>, vector<16xi32>,
    %swap3A_36 = arith.constant 32 : index
    %swap3A_37 = tpu.vector_load %arg12[%swap3A_36] {strides = array<i32>} : memref<64xi32, #tpu.memory_space<vmem>>, vector<16xi32>,
    tpu.vector_store %arg12[%swap3A_36], %get3A_35 {strides = array<i32>} : memref<64xi32, #tpu.memory_space<vmem>>, vector<16xi32>,
    %add3A_38 = arith.constant 48 : i32
    %add3A_39 = arith.addi %multiple_of3A_5, %add3A_38 : i32
    %get3A_40 = arith.index_cast %add3A_39 : i32 to index
    %get3A_41 = tpu.vector_load %arg11[%get3A_40] {strides = array<i32>} : memref<2048xi32, #tpu.memory_space<vmem>>, vector<16xi32>,
    %swap3A_42 = arith.constant 48 : index
    %swap3A_43 = tpu.vector_load %arg12[%swap3A_42] {strides = array<i32>} : memref<64xi32, #tpu.memory_space<vmem>>, vector<16xi32>,
    tpu.vector_store %arg12[%swap3A_42], %get3A_41 {strides = array<i32>} : memref<64xi32, #tpu.memory_space<vmem>>, vector<16xi32>,
    %dma_start3A = tpu.memref_slice %arg7[%multiple_of3A] : memref<76800xf32, #tpu.memory_space<hbm>> -> memref<2400xf32, #tpu.memory_space<hbm>>
    %dma_start3A_44 = tpu.memref_slice %arg7[%multiple_of3A] : memref<76800xf32, #tpu.memory_space<hbm>> -> memref<2400xf32, #tpu.memory_space<hbm>>
    tpu.enqueue_dma source(%arg15 : memref<2400xf32, #tpu.memory_space<vmem>>) target(%dma_start3A_44 : memref<2400xf32, #tpu.memory_space<hbm>>) target_semaphore(%arg17 : memref<!tpu.dma_semaphore, #tpu.memory_space<semaphore_mem>>)
    %dma_start3A_45 = arith.constant 0 : i32
    %dma_start3A_46 = arith.constant 0 : i32
    %dma_start3A_47 = tpu.memref_slice %arg2[%dma_start3A_45, %dma_start3A_46] : memref<76800x128xf32, #tpu.memory_space<hbm>> -> memref<76800x128xf32, #tpu.memory_space<hbm>>
    tpu.enqueue_indirect_dma source(%dma_start3A_47 : memref<76800x128xf32, #tpu.memory_space<hbm>>) target(%arg13 : memref<64x128xf32, #tpu.memory_space<vmem>>) offsets(%arg12 : memref<64xi32, #tpu.memory_space<vmem>>) semaphore(%arg16 : memref<!tpu.dma_semaphore, #tpu.memory_space<semaphore_mem>>)
    %dma_wait3A = arith.constant 0 : i32
    %dma_wait3A_48 = arith.constant 0 : i32
    %dma_wait3A_49 = tpu.memref_slice %arg2[%dma_wait3A, %dma_wait3A_48] : memref<76800x128xf32, #tpu.memory_space<hbm>> -> memref<76800x128xf32, #tpu.memory_space<hbm>>
    tpu.wait_indirect_dma semaphore(%arg16 : memref<!tpu.dma_semaphore, #tpu.memory_space<semaphore_mem>>) src(%dma_wait3A_49 : memref<76800x128xf32, #tpu.memory_space<hbm>>) dst(%arg13 : memref<64x128xf32, #tpu.memory_space<vmem>>)
    %broadcast_in_dim3A_50 = arith.constant 0 : i32
    %broadcast_in_dim3A_51 = vector.broadcast %broadcast_in_dim3A_50 : i32 to vector<16xi32>
    %scan3A_52 = arith.constant 0 : i32
    %scan3A_53 = arith.constant 0 : i32
    %scan3A_54 = arith.constant 85 : i32
    %scan3A_55 = arith.addi %scan3A_53, %scan3A_54 : i32
    %scan3A_56 = arith.constant 1 : i32
    scf.for %scan3A_92 = %scan3A_53 to %scan3A_55 step %scan3A_56  : i32 {
      %add3A_93 = vector.broadcast %scan3A_92 : i32 to vector<16xi32>
      %add3A_94 = arith.addi %broadcast_in_dim3A_51, %add3A_93 : vector<16xi32>
      %add3A_95 = arith.constant 0 : i32
      %add3A_96 = vector.broadcast %add3A_95 : i32 to vector<16xi32>
      %add3A_97 = arith.addi %iota3A, %add3A_96 : vector<16xi32>
      %gather3A = tpu.vector_load_idx %arg13[%add3A_97, %add3A_94] : memref<64x128xf32, #tpu.memory_space<vmem>>[vector<16xi32>, vector<16xi32>], vector<16xf32>,
      tpu.vector_store_idx %arg14[%add3A_94, %broadcast_in_dim3A_51, %add3A_97], %gather3A : memref<85x1x64xf32, #tpu.memory_space<vmem>>[vector<16xi32>, vector<16xi32>, vector<16xi32>], vector<16xf32>,
      %add3A_98 = arith.constant 16 : i32
      %add3A_99 = vector.broadcast %add3A_98 : i32 to vector<16xi32>
      %add3A_100 = arith.addi %iota3A, %add3A_99 : vector<16xi32>
      %gather3A_101 = tpu.vector_load_idx %arg13[%add3A_100, %add3A_94] : memref<64x128xf32, #tpu.memory_space<vmem>>[vector<16xi32>, vector<16xi32>], vector<16xf32>,
      tpu.vector_store_idx %arg14[%add3A_94, %broadcast_in_dim3A_51, %add3A_100], %gather3A_101 : memref<85x1x64xf32, #tpu.memory_space<vmem>>[vector<16xi32>, vector<16xi32>, vector<16xi32>], vector<16xf32>,
      %add3A_102 = arith.constant 32 : i32
      %add3A_103 = vector.broadcast %add3A_102 : i32 to vector<16xi32>
      %add3A_104 = arith.addi %iota3A, %add3A_103 : vector<16xi32>
      %gather3A_105 = tpu.vector_load_idx %arg13[%add3A_104, %add3A_94] : memref<64x128xf32, #tpu.memory_space<vmem>>[vector<16xi32>, vector<16xi32>], vector<16xf32>,
      tpu.vector_store_idx %arg14[%add3A_94, %broadcast_in_dim3A_51, %add3A_104], %gather3A_105 : memref<85x1x64xf32, #tpu.memory_space<vmem>>[vector<16xi32>, vector<16xi32>, vector<16xi32>], vector<16xf32>,
      %add3A_106 = arith.constant 48 : i32
      %add3A_107 = vector.broadcast %add3A_106 : i32 to vector<16xi32>
      %add3A_108 = arith.addi %iota3A, %add3A_107 : vector<16xi32>
      %gather3A_109 = tpu.vector_load_idx %arg13[%add3A_108, %add3A_94] : memref<64x128xf32, #tpu.memory_space<vmem>>[vector<16xi32>, vector<16xi32>], vector<16xf32>,
      tpu.vector_store_idx %arg14[%add3A_94, %broadcast_in_dim3A_51, %add3A_108], %gather3A_109 : memref<85x1x64xf32, #tpu.memory_space<vmem>>[vector<16xi32>, vector<16xi32>, vector<16xi32>], vector<16xf32>,
    }
    %scan3A_57 = arith.constant 85 : i32
    %jit3A = arith.constant 2 : i32
    %div3A = arith.divsi %add3A, %jit3A : i32
    %sign3A = arith.constant 0 : i32
    %sign3A_58 = arith.cmpi sgt, %add3A, %sign3A : i32
    %sign3A_59 = arith.extui %sign3A_58 : i1 to i32
    %sign3A_60 = arith.constant 0 : i32
    %sign3A_61 = arith.cmpi slt, %add3A, %sign3A_60 : i32
    %sign3A_62 = arith.extui %sign3A_61 : i1 to i32
    %sign3A_63 = arith.subi %sign3A_59, %sign3A_62 : i32
    %sign3A_64 = arith.constant 0 : i32
    %sign3A_65 = arith.cmpi sgt, %jit3A, %sign3A_64 : i32
    %sign3A_66 = arith.extui %sign3A_65 : i1 to i32
    %sign3A_67 = arith.constant 0 : i32
    %sign3A_68 = arith.cmpi slt, %jit3A, %sign3A_67 : i32
    %sign3A_69 = arith.extui %sign3A_68 : i1 to i32
    %sign3A_70 = arith.subi %sign3A_66, %sign3A_69 : i32
    %ne3A = arith.cmpi ne, %sign3A_63, %sign3A_70 : i32
    %rem3A = arith.remsi %add3A, %jit3A : i32
    %ne3A_71 = arith.constant 0 : i32
    %ne3A_72 = arith.cmpi ne, %rem3A, %ne3A_71 : i32
    %and3A = arith.andi %ne3A, %ne3A_72 : i1
    %sub3A = arith.constant 1 : i32
    %sub3A_73 = arith.subi %div3A, %sub3A : i32
    %select_n3A = arith.select %and3A, %sub3A_73, %div3A : i32
    %jit3A_74 = arith.constant 2 : i32
    %eq3A = arith.constant 0 : i32
    %eq3A_75 = arith.cmpi eq, %jit3A_74, %eq3A : i32
    %jit3A_76 = arith.constant 1 : i32
    %select_n3A_77 = arith.select %eq3A_75, %jit3A_76, %jit3A_74 : i32
    %rem3A_78 = arith.remsi %add3A, %select_n3A_77 : i32
    %ne3A_79 = arith.constant 0 : i32
    %ne3A_80 = arith.cmpi ne, %rem3A_78, %ne3A_79 : i32
    %lt3A = arith.constant 0 : i32
    %lt3A_81 = arith.cmpi slt, %rem3A_78, %lt3A : i32
    %lt3A_82 = arith.constant 0 : i32
    %lt3A_83 = arith.cmpi slt, %select_n3A_77, %lt3A_82 : i32
    %ne3A_84 = arith.xori %lt3A_81, %lt3A_83 : i1
    %and3A_85 = arith.andi %ne3A_84, %ne3A_80 : i1
    %add3A_86 = arith.addi %rem3A_78, %select_n3A_77 : i32
    %select_n3A_87 = arith.select %and3A_85, %add3A_86, %rem3A_78 : i32
    %mul3A_88 = arith.constant 64 : i32
    %mul3A_89 = arith.muli %select_n3A_87, %mul3A_88 : i32
    "tpu.region"() ({
      %run_scoped3A = tpu.sem_alloc : memref<!tpu.dma_semaphore, #tpu.memory_space<semaphore_mem>>
      %dma_start3A_92 = arith.constant 0 : i32
      %dma_start3A_93 = tpu.memref_slice %arg6[%dma_start3A_92, %select_n3A, %mul3A_89] : memref<85x16x128xf32, #tpu.memory_space<hbm>> -> memref<85x1x64xf32, #tpu.memory_space<hbm>>
      %dma_start3A_94 = arith.constant 0 : i32
      %dma_start3A_95 = tpu.memref_slice %arg6[%dma_start3A_94, %select_n3A, %mul3A_89] : memref<85x16x128xf32, #tpu.memory_space<hbm>> -> memref<85x1x64xf32, #tpu.memory_space<hbm>>
      tpu.enqueue_dma source(%arg14 : memref<85x1x64xf32, #tpu.memory_space<vmem>>) target(%dma_start3A_95 : memref<85x1x64xf32, #tpu.memory_space<hbm>>) target_semaphore(%run_scoped3A : memref<!tpu.dma_semaphore, #tpu.memory_space<semaphore_mem>>)
      %dma_wait3A_96 = arith.constant 0 : i32
      %dma_wait3A_97 = tpu.memref_slice %arg6[%dma_wait3A_96, %select_n3A, %mul3A_89] : memref<85x16x128xf32, #tpu.memory_space<hbm>> -> memref<85x1x64xf32, #tpu.memory_space<hbm>>
      %dma_wait3A_98 = arith.constant 0 : i32
      %dma_wait3A_99 = tpu.memref_slice %arg6[%dma_wait3A_98, %select_n3A, %mul3A_89] : memref<85x16x128xf32, #tpu.memory_space<hbm>> -> memref<85x1x64xf32, #tpu.memory_space<hbm>>
      tpu.wait_dma2 semaphore(%run_scoped3A : memref<!tpu.dma_semaphore, #tpu.memory_space<semaphore_mem>>) src(%arg14 : memref<85x1x64xf32, #tpu.memory_space<vmem>>) dst(%dma_wait3A_99 : memref<85x1x64xf32, #tpu.memory_space<hbm>>)
      tpu.yield
    }) : () -> ()
    %dma_wait3A_90 = tpu.memref_slice %arg7[%multiple_of3A] : memref<76800xf32, #tpu.memory_space<hbm>> -> memref<2400xf32, #tpu.memory_space<hbm>>
    %dma_wait3A_91 = tpu.memref_slice %arg7[%multiple_of3A] : memref<76800xf32, #tpu.memory_space<hbm>> -> memref<2400xf32, #tpu.memory_space<hbm>>
    tpu.wait_dma2 semaphore(%arg17 : memref<!tpu.dma_semaphore, #tpu.memory_space<semaphore_mem>>) src(%arg15 : memref<2400xf32, #tpu.memory_space<vmem>>) dst(%dma_wait3A_91 : memref<2400xf32, #tpu.memory_space<hbm>>)
    return
  }
}

module attributes {stable_mosaic.version = 14 : i64} {
  func.func @_loss_body(%arg0: memref<1x1xf32, #tpu.memory_space<smem>>, %arg1: memref<600x128xf32, #tpu.memory_space<vmem>>, %arg2: memref<600x128xf32, #tpu.memory_space<vmem>>, %arg3: memref<85x16x128xf32, #tpu.memory_space<vmem>>, %arg4: memref<4x16x128xf32, #tpu.memory_space<vmem>>, %arg5: memref<16x128xi32, #tpu.memory_space<vmem>>, %arg6: memref<1x1xf32, #tpu.memory_space<smem>>) attributes {dimension_semantics = [], scalar_prefetch = 0 : i64, scratch_operands = 0 : i64, tpu.core_type = #tpu.core_type<tc>} {
    %get3A = arith.constant 0 : index
    %get3A_0 = arith.constant 0 : index
    %get3A_1 = vector.load %arg1[%get3A, %get3A_0] : memref<600x128xf32, #tpu.memory_space<vmem>>, vector<600x128xf32>
    %get3A_2 = arith.constant 0 : index
    %get3A_3 = arith.constant 0 : index
    %get3A_4 = vector.load %arg2[%get3A_2, %get3A_3] : memref<600x128xf32, #tpu.memory_space<vmem>>, vector<600x128xf32>
    %get3A_5 = arith.constant 0 : index
    %get3A_6 = arith.constant 0 : index
    %get3A_7 = memref.load %arg0[%get3A_5, %get3A_6] : memref<1x1xf32, #tpu.memory_space<smem>>
    %mul3A = arith.mulf %get3A_1, %get3A_4 : vector<600x128xf32>
    %reduce_sum3A = vector.shape_cast %mul3A : vector<600x128xf32> to vector<1x600x128xf32>
    %reduce_sum3A_8 = arith.constant dense<0.000000e+00> : vector<1xf32>
    %reduce_sum3A_9 = vector.multi_reduction <add>, %reduce_sum3A, %reduce_sum3A_8 [1, 2] : vector<1x600x128xf32> to vector<1xf32>
    %reduce_sum3A_10 = vector.shape_cast %reduce_sum3A_9 : vector<1xf32> to vector<1x1x1xf32>
    %reduce_sum3A_11 = vector.extract %reduce_sum3A_10[0, 0, 0] : f32 from vector<1x1x1xf32>
    %sub3A = arith.subf %get3A_7, %reduce_sum3A_11 : f32
    %get3A_12 = arith.constant 5 : index
    %get3A_13 = arith.constant 0 : index
    %get3A_14 = arith.constant 0 : index
    %get3A_15 = vector.load %arg3[%get3A_12, %get3A_13, %get3A_14] : memref<85x16x128xf32, #tpu.memory_space<vmem>>, vector<80x16x128xf32>
    %get3A_16 = arith.constant 0 : index
    %get3A_17 = arith.constant 0 : index
    %get3A_18 = vector.load %arg5[%get3A_16, %get3A_17] : memref<16x128xi32, #tpu.memory_space<vmem>>, vector<16x128xi32>
    %iota3A = tpu.iota {dimensions = array<i32: 0>} : vector<80x16x128xi32>
    %broadcast_in_dim3A = vector.shape_cast %get3A_18 : vector<16x128xi32> to vector<1x16x128xi32>
    %eq3A = vector.broadcast %broadcast_in_dim3A : vector<1x16x128xi32> to vector<80x16x128xi32>
    %eq3A_19 = arith.cmpi eq, %iota3A, %eq3A : vector<80x16x128xi32>
    %jit3A = arith.constant 1.000000e+00 : f32
    %jit3A_20 = arith.constant 0.000000e+00 : f32
    %broadcast_in_dim3A_21 = vector.broadcast %jit3A : f32 to vector<80x16x128xf32>
    %broadcast_in_dim3A_22 = vector.broadcast %jit3A_20 : f32 to vector<80x16x128xf32>
    %select_n3A = arith.select %eq3A_19, %broadcast_in_dim3A_21, %broadcast_in_dim3A_22 : vector<80x16x128xi1>, vector<80x16x128xf32>
    %max3A = arith.constant 0.000000e+00 : f32
    %max3A_23 = vector.broadcast %max3A : f32 to vector<80x16x128xf32>
    %max3A_24 = arith.maximumf %get3A_15, %max3A_23 : vector<80x16x128xf32>
    %abs3A = math.absf %get3A_15 : vector<80x16x128xf32>
    %neg3A = arith.constant 0.000000e+00 : f32
    %neg3A_25 = vector.broadcast %neg3A : f32 to vector<80x16x128xf32>
    %neg3A_26 = arith.subf %neg3A_25, %abs3A : vector<80x16x128xf32>
    %exp3A = math.exp %neg3A_26 : vector<80x16x128xf32>
    %add3A = arith.constant 1.000000e+00 : f32
    %add3A_27 = vector.broadcast %add3A : f32 to vector<80x16x128xf32>
    %add3A_28 = arith.addf %add3A_27, %exp3A : vector<80x16x128xf32>
    %log3A = math.log %add3A_28 : vector<80x16x128xf32>
    %add3A_29 = arith.addf %max3A_24, %log3A : vector<80x16x128xf32>
    %mul3A_30 = arith.mulf %get3A_15, %select_n3A : vector<80x16x128xf32>
    %sub3A_31 = arith.subf %add3A_29, %mul3A_30 : vector<80x16x128xf32>
    %reduce_sum3A_32 = vector.shape_cast %sub3A_31 : vector<80x16x128xf32> to vector<1x80x16x128xf32>
    %reduce_sum3A_33 = arith.constant dense<0.000000e+00> : vector<1xf32>
    %reduce_sum3A_34 = vector.multi_reduction <add>, %reduce_sum3A_32, %reduce_sum3A_33 [1, 2, 3] : vector<1x80x16x128xf32> to vector<1xf32>
    %reduce_sum3A_35 = vector.shape_cast %reduce_sum3A_34 : vector<1xf32> to vector<1x1x1x1xf32>
    %reduce_sum3A_36 = vector.extract %reduce_sum3A_35[0, 0, 0, 0] : f32 from vector<1x1x1x1xf32>
    %get3A_37 = arith.constant 0 : index
    %get3A_38 = arith.constant 0 : index
    %get3A_39 = arith.constant 0 : index
    %get3A_40 = vector.load %arg3[%get3A_37, %get3A_38, %get3A_39] : memref<85x16x128xf32, #tpu.memory_space<vmem>>, vector<1x16x128xf32>
    %get3A_41 = vector.shape_cast %get3A_40 : vector<1x16x128xf32> to vector<16x128xf32>
    %get3A_42 = arith.constant 1 : index
    %get3A_43 = arith.constant 0 : index
    %get3A_44 = arith.constant 0 : index
    %get3A_45 = vector.load %arg3[%get3A_42, %get3A_43, %get3A_44] : memref<85x16x128xf32, #tpu.memory_space<vmem>>, vector<1x16x128xf32>
    %get3A_46 = vector.shape_cast %get3A_45 : vector<1x16x128xf32> to vector<16x128xf32>
    %get3A_47 = arith.constant 2 : index
    %get3A_48 = arith.constant 0 : index
    %get3A_49 = arith.constant 0 : index
    %get3A_50 = vector.load %arg3[%get3A_47, %get3A_48, %get3A_49] : memref<85x16x128xf32, #tpu.memory_space<vmem>>, vector<1x16x128xf32>
    %get3A_51 = vector.shape_cast %get3A_50 : vector<1x16x128xf32> to vector<16x128xf32>
    %get3A_52 = arith.constant 3 : index
    %get3A_53 = arith.constant 0 : index
    %get3A_54 = arith.constant 0 : index
    %get3A_55 = vector.load %arg3[%get3A_52, %get3A_53, %get3A_54] : memref<85x16x128xf32, #tpu.memory_space<vmem>>, vector<1x16x128xf32>
    %get3A_56 = vector.shape_cast %get3A_55 : vector<1x16x128xf32> to vector<16x128xf32>
    %get3A_57 = arith.constant 0 : index
    %get3A_58 = arith.constant 0 : index
    %get3A_59 = arith.constant 0 : index
    %get3A_60 = vector.load %arg4[%get3A_57, %get3A_58, %get3A_59] : memref<4x16x128xf32, #tpu.memory_space<vmem>>, vector<1x16x128xf32>
    %get3A_61 = vector.shape_cast %get3A_60 : vector<1x16x128xf32> to vector<16x128xf32>
    %get3A_62 = arith.constant 1 : index
    %get3A_63 = arith.constant 0 : index
    %get3A_64 = arith.constant 0 : index
    %get3A_65 = vector.load %arg4[%get3A_62, %get3A_63, %get3A_64] : memref<4x16x128xf32, #tpu.memory_space<vmem>>, vector<1x16x128xf32>
    %get3A_66 = vector.shape_cast %get3A_65 : vector<1x16x128xf32> to vector<16x128xf32>
    %get3A_67 = arith.constant 2 : index
    %get3A_68 = arith.constant 0 : index
    %get3A_69 = arith.constant 0 : index
    %get3A_70 = vector.load %arg4[%get3A_67, %get3A_68, %get3A_69] : memref<4x16x128xf32, #tpu.memory_space<vmem>>, vector<1x16x128xf32>
    %get3A_71 = vector.shape_cast %get3A_70 : vector<1x16x128xf32> to vector<16x128xf32>
    %get3A_72 = arith.constant 3 : index
    %get3A_73 = arith.constant 0 : index
    %get3A_74 = arith.constant 0 : index
    %get3A_75 = vector.load %arg4[%get3A_72, %get3A_73, %get3A_74] : memref<4x16x128xf32, #tpu.memory_space<vmem>>, vector<1x16x128xf32>
    %get3A_76 = vector.shape_cast %get3A_75 : vector<1x16x128xf32> to vector<16x128xf32>
    %min3A = arith.minimumf %get3A_51, %get3A_71 : vector<16x128xf32>
    %max3A_77 = arith.maximumf %get3A_41, %get3A_61 : vector<16x128xf32>
    %sub3A_78 = arith.subf %min3A, %max3A_77 : vector<16x128xf32>
    %jit3A_79 = arith.constant 0.000000e+00 : f32
    %max3A_80 = vector.broadcast %jit3A_79 : f32 to vector<16x128xf32>
    %max3A_81 = arith.maximumf %max3A_80, %sub3A_78 : vector<16x128xf32>
    %min3A_82 = arith.minimumf %get3A_56, %get3A_76 : vector<16x128xf32>
    %max3A_83 = arith.maximumf %get3A_46, %get3A_66 : vector<16x128xf32>
    %sub3A_84 = arith.subf %min3A_82, %max3A_83 : vector<16x128xf32>
    %jit3A_85 = arith.constant 0.000000e+00 : f32
    %max3A_86 = vector.broadcast %jit3A_85 : f32 to vector<16x128xf32>
    %max3A_87 = arith.maximumf %max3A_86, %sub3A_84 : vector<16x128xf32>
    %mul3A_88 = arith.mulf %max3A_81, %max3A_87 : vector<16x128xf32>
    %sub3A_89 = arith.subf %get3A_51, %get3A_41 : vector<16x128xf32>
    %sub3A_90 = arith.subf %get3A_56, %get3A_46 : vector<16x128xf32>
    %sub3A_91 = arith.subf %get3A_71, %get3A_61 : vector<16x128xf32>
    %sub3A_92 = arith.subf %get3A_76, %get3A_66 : vector<16x128xf32>
    %mul3A_93 = arith.mulf %sub3A_89, %sub3A_90 : vector<16x128xf32>
    %mul3A_94 = arith.mulf %sub3A_91, %sub3A_92 : vector<16x128xf32>
    %add3A_95 = arith.addf %mul3A_93, %mul3A_94 : vector<16x128xf32>
    %sub3A_96 = arith.subf %add3A_95, %mul3A_88 : vector<16x128xf32>
    %add3A_97 = arith.constant 1.000000e-07 : f32
    %add3A_98 = vector.broadcast %add3A_97 : f32 to vector<16x128xf32>
    %add3A_99 = arith.addf %sub3A_96, %add3A_98 : vector<16x128xf32>
    %div3A = arith.divf %mul3A_88, %add3A_99 : vector<16x128xf32>
    %max3A_100 = arith.maximumf %get3A_51, %get3A_71 : vector<16x128xf32>
    %min3A_101 = arith.minimumf %get3A_41, %get3A_61 : vector<16x128xf32>
    %sub3A_102 = arith.subf %max3A_100, %min3A_101 : vector<16x128xf32>
    %max3A_103 = arith.maximumf %get3A_56, %get3A_76 : vector<16x128xf32>
    %min3A_104 = arith.minimumf %get3A_46, %get3A_66 : vector<16x128xf32>
    %sub3A_105 = arith.subf %max3A_103, %min3A_104 : vector<16x128xf32>
    %mul3A_106 = arith.mulf %sub3A_102, %sub3A_102 : vector<16x128xf32>
    %mul3A_107 = arith.mulf %sub3A_105, %sub3A_105 : vector<16x128xf32>
    %add3A_108 = arith.addf %mul3A_106, %mul3A_107 : vector<16x128xf32>
    %add3A_109 = arith.constant 1.000000e-07 : f32
    %add3A_110 = vector.broadcast %add3A_109 : f32 to vector<16x128xf32>
    %add3A_111 = arith.addf %add3A_108, %add3A_110 : vector<16x128xf32>
    %add3A_112 = arith.addf %get3A_61, %get3A_71 : vector<16x128xf32>
    %add3A_113 = arith.addf %get3A_41, %get3A_51 : vector<16x128xf32>
    %sub3A_114 = arith.subf %add3A_112, %add3A_113 : vector<16x128xf32>
    %integer_pow3A = arith.mulf %sub3A_114, %sub3A_114 : vector<16x128xf32>
    %div3A_115 = arith.constant 4.000000e+00 : f32
    %div3A_116 = vector.broadcast %div3A_115 : f32 to vector<16x128xf32>
    %div3A_117 = arith.divf %integer_pow3A, %div3A_116 : vector<16x128xf32>
    %add3A_118 = arith.addf %get3A_66, %get3A_76 : vector<16x128xf32>
    %add3A_119 = arith.addf %get3A_46, %get3A_56 : vector<16x128xf32>
    %sub3A_120 = arith.subf %add3A_118, %add3A_119 : vector<16x128xf32>
    %integer_pow3A_121 = arith.mulf %sub3A_120, %sub3A_120 : vector<16x128xf32>
    %div3A_122 = arith.constant 4.000000e+00 : f32
    %div3A_123 = vector.broadcast %div3A_122 : f32 to vector<16x128xf32>
    %div3A_124 = arith.divf %integer_pow3A_121, %div3A_123 : vector<16x128xf32>
    %add3A_125 = arith.addf %div3A_117, %div3A_124 : vector<16x128xf32>
    %add3A_126 = arith.constant 1.000000e-07 : f32
    %add3A_127 = vector.broadcast %add3A_126 : f32 to vector<16x128xf32>
    %add3A_128 = arith.addf %sub3A_92, %add3A_127 : vector<16x128xf32>
    %div3A_129 = arith.divf %sub3A_91, %add3A_128 : vector<16x128xf32>
    %abs3A_130 = math.absf %div3A_129 : vector<16x128xf32>
    %gt3A = arith.constant 2.41421366 : f32
    %gt3A_131 = vector.broadcast %gt3A : f32 to vector<16x128xf32>
    %gt3A_132 = arith.cmpf ogt, %abs3A_130, %gt3A_131 : vector<16x128xf32>
    %gt3A_133 = arith.constant 0.414213568 : f32
    %gt3A_134 = vector.broadcast %gt3A_133 : f32 to vector<16x128xf32>
    %gt3A_135 = arith.cmpf ogt, %abs3A_130, %gt3A_134 : vector<16x128xf32>
    %jit3A_136 = arith.constant 1.000000e+00 : f32
    %broadcast_in_dim3A_137 = vector.broadcast %jit3A_136 : f32 to vector<16x128xf32>
    %select_n3A_138 = arith.select %gt3A_132, %abs3A_130, %broadcast_in_dim3A_137 : vector<16x128xi1>, vector<16x128xf32>
    %div3A_139 = arith.constant -1.000000e+00 : f32
    %div3A_140 = vector.broadcast %div3A_139 : f32 to vector<16x128xf32>
    %div3A_141 = arith.divf %div3A_140, %select_n3A_138 : vector<16x128xf32>
    %sub3A_142 = arith.constant 1.000000e+00 : f32
    %sub3A_143 = vector.broadcast %sub3A_142 : f32 to vector<16x128xf32>
    %sub3A_144 = arith.subf %abs3A_130, %sub3A_143 : vector<16x128xf32>
    %add3A_145 = arith.constant 1.000000e+00 : f32
    %add3A_146 = vector.broadcast %add3A_145 : f32 to vector<16x128xf32>
    %add3A_147 = arith.addf %abs3A_130, %add3A_146 : vector<16x128xf32>
    %div3A_148 = arith.divf %sub3A_144, %add3A_147 : vector<16x128xf32>
    %select_n3A_149 = arith.select %gt3A_135, %div3A_148, %abs3A_130 : vector<16x128xi1>, vector<16x128xf32>
    %select_n3A_150 = arith.select %gt3A_132, %div3A_141, %select_n3A_149 : vector<16x128xi1>, vector<16x128xf32>
    %mul3A_151 = arith.mulf %select_n3A_150, %select_n3A_150 : vector<16x128xf32>
    %mul3A_152 = arith.constant 0.0805374458 : f32
    %mul3A_153 = vector.broadcast %mul3A_152 : f32 to vector<16x128xf32>
    %mul3A_154 = arith.mulf %mul3A_153, %mul3A_151 : vector<16x128xf32>
    %sub3A_155 = arith.constant 0.138776854 : f32
    %sub3A_156 = vector.broadcast %sub3A_155 : f32 to vector<16x128xf32>
    %sub3A_157 = arith.subf %mul3A_154, %sub3A_156 : vector<16x128xf32>
    %mul3A_158 = arith.mulf %sub3A_157, %mul3A_151 : vector<16x128xf32>
    %add3A_159 = arith.constant 0.199777111 : f32
    %add3A_160 = vector.broadcast %add3A_159 : f32 to vector<16x128xf32>
    %add3A_161 = arith.addf %mul3A_158, %add3A_160 : vector<16x128xf32>
    %mul3A_162 = arith.mulf %add3A_161, %mul3A_151 : vector<16x128xf32>
    %sub3A_163 = arith.constant 0.333329499 : f32
    %sub3A_164 = vector.broadcast %sub3A_163 : f32 to vector<16x128xf32>
    %sub3A_165 = arith.subf %mul3A_162, %sub3A_164 : vector<16x128xf32>
    %mul3A_166 = arith.mulf %sub3A_165, %mul3A_151 : vector<16x128xf32>
    %mul3A_167 = arith.mulf %mul3A_166, %select_n3A_150 : vector<16x128xf32>
    %add3A_168 = arith.addf %mul3A_167, %select_n3A_150 : vector<16x128xf32>
    %jit3A_169 = arith.constant 0.785398185 : f32
    %jit3A_170 = arith.constant 0.000000e+00 : f32
    %broadcast_in_dim3A_171 = vector.broadcast %jit3A_169 : f32 to vector<16x128xf32>
    %broadcast_in_dim3A_172 = vector.broadcast %jit3A_170 : f32 to vector<16x128xf32>
    %select_n3A_173 = arith.select %gt3A_135, %broadcast_in_dim3A_171, %broadcast_in_dim3A_172 : vector<16x128xi1>, vector<16x128xf32>
    %jit3A_174 = arith.constant 1.57079637 : f32
    %broadcast_in_dim3A_175 = vector.broadcast %jit3A_174 : f32 to vector<16x128xf32>
    %select_n3A_176 = arith.select %gt3A_132, %broadcast_in_dim3A_175, %select_n3A_173 : vector<16x128xi1>, vector<16x128xf32>
    %add3A_177 = arith.addf %add3A_168, %select_n3A_176 : vector<16x128xf32>
    %lt3A = arith.constant 0.000000e+00 : f32
    %lt3A_178 = vector.broadcast %lt3A : f32 to vector<16x128xf32>
    %lt3A_179 = arith.cmpf olt, %div3A_129, %lt3A_178 : vector<16x128xf32>
    %neg3A_180 = arith.constant 0.000000e+00 : f32
    %neg3A_181 = vector.broadcast %neg3A_180 : f32 to vector<16x128xf32>
    %neg3A_182 = arith.subf %neg3A_181, %add3A_177 : vector<16x128xf32>
    %select_n3A_183 = arith.select %lt3A_179, %neg3A_182, %add3A_177 : vector<16x128xi1>, vector<16x128xf32>
    %add3A_184 = arith.constant 1.000000e-07 : f32
    %add3A_185 = vector.broadcast %add3A_184 : f32 to vector<16x128xf32>
    %add3A_186 = arith.addf %sub3A_90, %add3A_185 : vector<16x128xf32>
    %div3A_187 = arith.divf %sub3A_89, %add3A_186 : vector<16x128xf32>
    %abs3A_188 = math.absf %div3A_187 : vector<16x128xf32>
    %gt3A_189 = arith.constant 2.41421366 : f32
    %gt3A_190 = vector.broadcast %gt3A_189 : f32 to vector<16x128xf32>
    %gt3A_191 = arith.cmpf ogt, %abs3A_188, %gt3A_190 : vector<16x128xf32>
    %gt3A_192 = arith.constant 0.414213568 : f32
    %gt3A_193 = vector.broadcast %gt3A_192 : f32 to vector<16x128xf32>
    %gt3A_194 = arith.cmpf ogt, %abs3A_188, %gt3A_193 : vector<16x128xf32>
    %jit3A_195 = arith.constant 1.000000e+00 : f32
    %broadcast_in_dim3A_196 = vector.broadcast %jit3A_195 : f32 to vector<16x128xf32>
    %select_n3A_197 = arith.select %gt3A_191, %abs3A_188, %broadcast_in_dim3A_196 : vector<16x128xi1>, vector<16x128xf32>
    %div3A_198 = arith.constant -1.000000e+00 : f32
    %div3A_199 = vector.broadcast %div3A_198 : f32 to vector<16x128xf32>
    %div3A_200 = arith.divf %div3A_199, %select_n3A_197 : vector<16x128xf32>
    %sub3A_201 = arith.constant 1.000000e+00 : f32
    %sub3A_202 = vector.broadcast %sub3A_201 : f32 to vector<16x128xf32>
    %sub3A_203 = arith.subf %abs3A_188, %sub3A_202 : vector<16x128xf32>
    %add3A_204 = arith.constant 1.000000e+00 : f32
    %add3A_205 = vector.broadcast %add3A_204 : f32 to vector<16x128xf32>
    %add3A_206 = arith.addf %abs3A_188, %add3A_205 : vector<16x128xf32>
    %div3A_207 = arith.divf %sub3A_203, %add3A_206 : vector<16x128xf32>
    %select_n3A_208 = arith.select %gt3A_194, %div3A_207, %abs3A_188 : vector<16x128xi1>, vector<16x128xf32>
    %select_n3A_209 = arith.select %gt3A_191, %div3A_200, %select_n3A_208 : vector<16x128xi1>, vector<16x128xf32>
    %mul3A_210 = arith.mulf %select_n3A_209, %select_n3A_209 : vector<16x128xf32>
    %mul3A_211 = arith.constant 0.0805374458 : f32
    %mul3A_212 = vector.broadcast %mul3A_211 : f32 to vector<16x128xf32>
    %mul3A_213 = arith.mulf %mul3A_212, %mul3A_210 : vector<16x128xf32>
    %sub3A_214 = arith.constant 0.138776854 : f32
    %sub3A_215 = vector.broadcast %sub3A_214 : f32 to vector<16x128xf32>
    %sub3A_216 = arith.subf %mul3A_213, %sub3A_215 : vector<16x128xf32>
    %mul3A_217 = arith.mulf %sub3A_216, %mul3A_210 : vector<16x128xf32>
    %add3A_218 = arith.constant 0.199777111 : f32
    %add3A_219 = vector.broadcast %add3A_218 : f32 to vector<16x128xf32>
    %add3A_220 = arith.addf %mul3A_217, %add3A_219 : vector<16x128xf32>
    %mul3A_221 = arith.mulf %add3A_220, %mul3A_210 : vector<16x128xf32>
    %sub3A_222 = arith.constant 0.333329499 : f32
    %sub3A_223 = vector.broadcast %sub3A_222 : f32 to vector<16x128xf32>
    %sub3A_224 = arith.subf %mul3A_221, %sub3A_223 : vector<16x128xf32>
    %mul3A_225 = arith.mulf %sub3A_224, %mul3A_210 : vector<16x128xf32>
    %mul3A_226 = arith.mulf %mul3A_225, %select_n3A_209 : vector<16x128xf32>
    %add3A_227 = arith.addf %mul3A_226, %select_n3A_209 : vector<16x128xf32>
    %jit3A_228 = arith.constant 0.785398185 : f32
    %jit3A_229 = arith.constant 0.000000e+00 : f32
    %broadcast_in_dim3A_230 = vector.broadcast %jit3A_228 : f32 to vector<16x128xf32>
    %broadcast_in_dim3A_231 = vector.broadcast %jit3A_229 : f32 to vector<16x128xf32>
    %select_n3A_232 = arith.select %gt3A_194, %broadcast_in_dim3A_230, %broadcast_in_dim3A_231 : vector<16x128xi1>, vector<16x128xf32>
    %jit3A_233 = arith.constant 1.57079637 : f32
    %broadcast_in_dim3A_234 = vector.broadcast %jit3A_233 : f32 to vector<16x128xf32>
    %select_n3A_235 = arith.select %gt3A_191, %broadcast_in_dim3A_234, %select_n3A_232 : vector<16x128xi1>, vector<16x128xf32>
    %add3A_236 = arith.addf %add3A_227, %select_n3A_235 : vector<16x128xf32>
    %lt3A_237 = arith.constant 0.000000e+00 : f32
    %lt3A_238 = vector.broadcast %lt3A_237 : f32 to vector<16x128xf32>
    %lt3A_239 = arith.cmpf olt, %div3A_187, %lt3A_238 : vector<16x128xf32>
    %neg3A_240 = arith.constant 0.000000e+00 : f32
    %neg3A_241 = vector.broadcast %neg3A_240 : f32 to vector<16x128xf32>
    %neg3A_242 = arith.subf %neg3A_241, %add3A_236 : vector<16x128xf32>
    %select_n3A_243 = arith.select %lt3A_239, %neg3A_242, %add3A_236 : vector<16x128xi1>, vector<16x128xf32>
    %sub3A_244 = arith.subf %select_n3A_183, %select_n3A_243 : vector<16x128xf32>
    %integer_pow3A_245 = arith.mulf %sub3A_244, %sub3A_244 : vector<16x128xf32>
    %mul3A_246 = arith.constant 0.405284733 : f32
    %mul3A_247 = vector.broadcast %mul3A_246 : f32 to vector<16x128xf32>
    %mul3A_248 = arith.mulf %mul3A_247, %integer_pow3A_245 : vector<16x128xf32>
    %sub3A_249 = arith.subf %mul3A_248, %div3A : vector<16x128xf32>
    %add3A_250 = arith.constant 1.00000012 : f32
    %add3A_251 = vector.broadcast %add3A_250 : f32 to vector<16x128xf32>
    %add3A_252 = arith.addf %sub3A_249, %add3A_251 : vector<16x128xf32>
    %div3A_253 = arith.divf %mul3A_248, %add3A_252 : vector<16x128xf32>
    %div3A_254 = arith.divf %add3A_125, %add3A_111 : vector<16x128xf32>
    %mul3A_255 = arith.mulf %div3A_253, %mul3A_248 : vector<16x128xf32>
    %add3A_256 = arith.addf %div3A_254, %mul3A_255 : vector<16x128xf32>
    %sub3A_257 = arith.subf %div3A, %add3A_256 : vector<16x128xf32>
    %sub3A_258 = arith.constant 1.000000e+00 : f32
    %sub3A_259 = vector.broadcast %sub3A_258 : f32 to vector<16x128xf32>
    %sub3A_260 = arith.subf %sub3A_259, %sub3A_257 : vector<16x128xf32>
    %reduce_sum3A_261 = vector.shape_cast %sub3A_260 : vector<16x128xf32> to vector<1x16x128xf32>
    %reduce_sum3A_262 = arith.constant dense<0.000000e+00> : vector<1xf32>
    %reduce_sum3A_263 = vector.multi_reduction <add>, %reduce_sum3A_261, %reduce_sum3A_262 [1, 2] : vector<1x16x128xf32> to vector<1xf32>
    %reduce_sum3A_264 = vector.shape_cast %reduce_sum3A_263 : vector<1xf32> to vector<1x1x1xf32>
    %reduce_sum3A_265 = vector.extract %reduce_sum3A_264[0, 0, 0] : f32 from vector<1x1x1xf32>
    %mul3A_266 = arith.constant 1.000000e+00 : f32
    %mul3A_267 = arith.mulf %mul3A_266, %sub3A : f32
    %div3A_268 = arith.constant 7.680000e+04 : f32
    %div3A_269 = arith.divf %mul3A_267, %div3A_268 : f32
    %div3A_270 = arith.constant 2.048000e+03 : f32
    %div3A_271 = arith.divf %reduce_sum3A_265, %div3A_270 : f32
    %add3A_272 = arith.addf %div3A_269, %div3A_271 : f32
    %mul3A_273 = arith.constant 5.000000e-01 : f32
    %mul3A_274 = arith.mulf %mul3A_273, %reduce_sum3A_36 : f32
    %div3A_275 = arith.constant 1.638400e+05 : f32
    %div3A_276 = arith.divf %mul3A_274, %div3A_275 : f32
    %add3A_277 = arith.addf %add3A_272, %div3A_276 : f32
    %swap3A = arith.constant 0 : index
    %swap3A_278 = arith.constant 0 : index
    %swap3A_279 = memref.load %arg6[%swap3A, %swap3A_278] : memref<1x1xf32, #tpu.memory_space<smem>>
    memref.store %add3A_277, %arg6[%swap3A, %swap3A_278] : memref<1x1xf32, #tpu.memory_space<smem>>
    return
  }
}

module attributes {stable_mosaic.version = 14 : i64} {
  func.func @_prep_body(%arg0: i32, %arg1: memref<9600x85xf32, #tpu.memory_space<vmem>>, %arg2: memref<9600x128xf32, #tpu.memory_space<vmem>>, %arg3: memref<600x128xf32, #tpu.memory_space<vmem>>, %arg4: memref<1x1xf32, #tpu.memory_space<smem>>) attributes {dimension_semantics = [#tpu.dimension_semantics<arbitrary>], iteration_bounds = array<i64: 8>, scalar_prefetch = 0 : i64, scratch_operands = 0 : i64, tpu.core_type = #tpu.core_type<tc>, window_params = [{transform_indices = @transform_0, window_bounds = array<i64: 9600, 85>}, {transform_indices = @transform_1, window_bounds = array<i64: 9600, 128>}, {pipeline_mode = #tpu.pipeline_mode<synchronous>, transform_indices = @transform_2, window_bounds = array<i64: 600, 128>}, {transform_indices = @transform_3, window_bounds = array<i64: 1, 1>}]} {
    %get3A = arith.constant 0 : index
    %get3A_0 = arith.constant 0 : index
    %get3A_1 = vector.load %arg1[%get3A, %get3A_0] : memref<9600x85xf32, #tpu.memory_space<vmem>>, vector<9600x85xf32>
    %swap3A = arith.constant 0 : index
    %swap3A_2 = arith.constant 0 : index
    %swap3A_3 = vector.load %arg2[%swap3A, %swap3A_2] : memref<9600x128xf32, #tpu.memory_space<vmem>>, vector<9600x85xf32>
    tpu.vector_store %arg2[%swap3A, %swap3A_2], %get3A_1 {strides = array<i32>} : memref<9600x128xf32, #tpu.memory_space<vmem>>, vector<9600x85xf32>,
    %slice3A = vector.extract_strided_slice %get3A_1 {offsets = [0, 4], sizes = [9600, 1], strides = [1, 1]} : vector<9600x85xf32> to vector<9600x1xf32>
    %reshape3A = vector.shape_cast %slice3A : vector<9600x1xf32> to vector<75x128xf32>
    %mul3A = arith.constant 75 : i32
    %mul3A_4 = arith.muli %arg0, %mul3A : i32
    %swap3A_5 = arith.index_cast %mul3A_4 : i32 to index
    %swap3A_6 = arith.constant 0 : index
    %swap3A_7 = vector.load %arg3[%swap3A_5, %swap3A_6] : memref<600x128xf32, #tpu.memory_space<vmem>>, vector<75x128xf32>
    tpu.vector_store %arg3[%swap3A_5, %swap3A_6], %reshape3A {strides = array<i32>} : memref<600x128xf32, #tpu.memory_space<vmem>>, vector<75x128xf32>,
    %max3A = arith.constant 0.000000e+00 : f32
    %max3A_8 = vector.broadcast %max3A : f32 to vector<75x128xf32>
    %max3A_9 = arith.maximumf %reshape3A, %max3A_8 : vector<75x128xf32>
    %abs3A = math.absf %reshape3A : vector<75x128xf32>
    %neg3A = arith.constant 0.000000e+00 : f32
    %neg3A_10 = vector.broadcast %neg3A : f32 to vector<75x128xf32>
    %neg3A_11 = arith.subf %neg3A_10, %abs3A : vector<75x128xf32>
    %exp3A = math.exp %neg3A_11 : vector<75x128xf32>
    %add3A = arith.constant 1.000000e+00 : f32
    %add3A_12 = vector.broadcast %add3A : f32 to vector<75x128xf32>
    %add3A_13 = arith.addf %add3A_12, %exp3A : vector<75x128xf32>
    %log3A = math.log %add3A_13 : vector<75x128xf32>
    %add3A_14 = arith.addf %max3A_9, %log3A : vector<75x128xf32>
    %reduce_sum3A = vector.shape_cast %add3A_14 : vector<75x128xf32> to vector<1x75x128xf32>
    %reduce_sum3A_15 = arith.constant dense<0.000000e+00> : vector<1xf32>
    %reduce_sum3A_16 = vector.multi_reduction <add>, %reduce_sum3A, %reduce_sum3A_15 [1, 2] : vector<1x75x128xf32> to vector<1xf32>
    %reduce_sum3A_17 = vector.shape_cast %reduce_sum3A_16 : vector<1xf32> to vector<1x1x1xf32>
    %reduce_sum3A_18 = vector.extract %reduce_sum3A_17[0, 0, 0] : f32 from vector<1x1x1xf32>
    %eq3A = arith.constant 0 : i32
    %eq3A_19 = arith.cmpi eq, %arg0, %eq3A : i32
    %convert_element_type3A = arith.extui %eq3A_19 : i1 to i32
    %cond3A = arith.constant 0 : i32
    %cond3A_20 = arith.cmpi ne, %convert_element_type3A, %cond3A : i32
    scf.if %cond3A_20 {
      %swap3A_25 = arith.constant 0 : index
      %swap3A_26 = arith.constant 0 : index
      %swap3A_27 = memref.load %arg4[%swap3A_25, %swap3A_26] : memref<1x1xf32, #tpu.memory_space<smem>>
      memref.store %reduce_sum3A_18, %arg4[%swap3A_25, %swap3A_26] : memref<1x1xf32, #tpu.memory_space<smem>>
    } else {
    }
    %ne3A = arith.constant 0 : i32
    %ne3A_21 = arith.cmpi ne, %arg0, %ne3A : i32
    %convert_element_type3A_22 = arith.extui %ne3A_21 : i1 to i32
    %cond3A_23 = arith.constant 0 : i32
    %cond3A_24 = arith.cmpi ne, %convert_element_type3A_22, %cond3A_23 : i32
    scf.if %cond3A_24 {
      %get3A_25 = arith.constant 0 : index
      %get3A_26 = arith.constant 0 : index
      %get3A_27 = memref.load %arg4[%get3A_25, %get3A_26] : memref<1x1xf32, #tpu.memory_space<smem>>
      %add3A_28 = arith.addf %get3A_27, %reduce_sum3A_18 : f32
      %swap3A_29 = arith.constant 0 : index
      %swap3A_30 = arith.constant 0 : index
      %swap3A_31 = memref.load %arg4[%swap3A_29, %swap3A_30] : memref<1x1xf32, #tpu.memory_space<smem>>
      memref.store %add3A_28, %arg4[%swap3A_29, %swap3A_30] : memref<1x1xf32, #tpu.memory_space<smem>>
    } else {
    }
    return
  }
  func.func @transform_0(%arg0: i32) -> (i32, i32) {
    %c0_i32 = arith.constant 0 : i32
    %c0_i32_0 = arith.constant 0 : i32
    return %arg0, %c0_i32 : i32, i32
  }
  func.func @transform_1(%arg0: i32) -> (i32, i32) {
    %c0_i32 = arith.constant 0 : i32
    %c0_i32_0 = arith.constant 0 : i32
    return %arg0, %c0_i32 : i32, i32
  }
  func.func @transform_2(%arg0: i32) -> (i32, i32) {
    %c0_i32 = arith.constant 0 : i32
    %c0_i32_0 = arith.constant 0 : i32
    %c0_i32_1 = arith.constant 0 : i32
    return %c0_i32, %c0_i32_0 : i32, i32
  }
  func.func @transform_3(%arg0: i32) -> (i32, i32) {
    %c0_i32 = arith.constant 0 : i32
    %c0_i32_0 = arith.constant 0 : i32
    %c0_i32_1 = arith.constant 0 : i32
    return %c0_i32, %c0_i32_0 : i32, i32
  }
}

</mosaic_0001>

<sc_bundles>
// kernel: kernel.5.cloned.1.call-start
scs
__scs_entry_jumppad:
0x0: {  	(pc) =	sbr.rel $0x88, $3  }
0x1: {  	(tag) =	ssettag $0x0;
	lr =	simm.s32 $0x1  }
0x2: {  	[smem:$0x3F9B] =	sst lr;
	_ =	strace $0xD0000000  }
0x3: {  	_ = 	snop  }
0x4: {  	_ = 	snop  }
0x5: {  	_ = 	snop  }
0x6: {  	_ = 	snop  }
0x7: {  	_ = 	snop  }
__scs_overlays_trampoline_lowered:
0x8: {  	[smem:$0x3FAA] =	sst s0  }
0x9: {  	[smem:$0x3FAB] =	sst s1  }
0xa: {  	[smem:$0x3FAC] =	sst s2  }
0xb: {  	[smem:$0x3FAD] =	sst s3  }
0xc: {  	[smem:$0x3FAE] =	sst s4  }
0xd: {  	[smem:$0x3FAF] =	sst s5  }
0xe: {  	[smem:$0x3FB0] =	sst s6  }
0xf: {  	[smem:$0x3FB1] =	sst s7  }
0x10: {  	[smem:$0x3FB2] =	sst s8  }
0x11: {  	[smem:$0x3FB3] =	sst s9;
	s0 =	simm.s32 @!p0 $0x0  }
0x12: {  	s1 =	sld [smem:$0x3F99];
	s0 =	simm.s32 @p0 $0x1  }
0x13: {  	[smem:$0x3FB4] =	sst s0;
	s0 =	simm.s32 @!p1 $0x0  }
0x14: {  	s2 =	sld [smem:$0x3F98];
	s0 =	simm.s32 @p1 $0x1  }
0x15: {  	[smem:$0x3FB5] =	sst s0;
	s0 =	simm.s32 @!p2 $0x0  }
0x16: {  	s3 =	sld [smem:$0x3FDB];
	s0 =	simm.s32 @p2 $0x1  }
0x17: {  	s4 =	simm.s32 $0x1BF5;
	[smem:$0x3FB7] =	sst s0  }
0x18: {  	s0 =	sld [smem:$0x3F9A];
	_ =	swait.ge [sflag:s4], $0x0  }
0x19: {  	s7 =	sld [smem:$0x3F9B]  }
0x1a: {  	s8 =	sadd.s32 $0xFFFFE003, lr  }
0x1b: {  	s9 =	sadd.s32 $0xFFFFFEF7, lr;
	s5 =	simm.s32 $0xFFFFFFFF;
	p2 =	slt.u32 s8, $0xFFFFF086  }
0x1c: {  	p1 =	slt.u32 s9, $0xF7A;
	s5 =	simm.s32 @!p2 $0x0  }
0x1d: {  	s5 =	simm.s32 @p1 $0x1;
	p0 =	seq.s32 s7, s2  }
0x1e: {  	s7 =	smul.u32 @!p0 $0xF7A, s2;
	p2 =	seq.s32 @!p0 s5, $0x0  }
0x1f: {  	s9 =	smul.u32 $0xF7A, s1;
	s8 =	simm.s32 @!p0 $0x1BF5;
	p2 =	por !p2, p0  }
0x20: {  	[sflag:s8] =	ssyncset.s32 @!p0 $0xFFFFF086;
	s6 =	sadd.s32 @!p0 s3, s7;
	s7 =	simm.s32 @!p0 $0x108  }
0x21: {  	s3 =	sadd.s32 s3, s9;
	s6 =	sadd.s32 @!p0 $0x88, s6;
	s7 =	simm.s32 @p2 $0x1082  }
0x22: {  	[simem:s7], [sflag:s8] =	dma.local @!p0 [hbm:s6], $0xF7A  }
0x23: {  	s9 =	sor.u32 $0xD0000000, s2;
	s6 =	simm.s32 $0x108;
	_ =	swait.ge @!p0 [sflag:s8], $0x0  }
0x24: {  	s3 =	sadd.s32 $0x88, s3;
	s6 =	simm.s32 @!p1 $0x1082;
	[sflag:s4] =	ssyncset.s32 $0xFFFFF086  }
0x25: {  	[simem:s6], [sflag:s4] =	dma.local [hbm:s3], $0xF7A  }
0x26: {  	[smem:$0x3F9B] =	sst s1;
	(tag) =	ssettag s2;
	_ =	strace s9  }
0x27: {  	s1 =	sld [smem:$0x3FAB]  }
0x28: {  	s2 =	sld [smem:$0x3FAC]  }
0x29: {  	s4 =	sld [smem:$0x3FAE]  }
0x2a: {  	p0 =	seq.s32 s5, $0x0;
	s5 =	sld [smem:$0x3FAF]  }
0x2b: {  	s6 =	sld [smem:$0x3FB0]  }
0x2c: {  	s7 =	sld [smem:$0x3FB1]  }
0x2d: {  	s3 =	simm.s32 $0x108;
	s8 =	sld [smem:$0x3FB2]  }
0x2e: {  	s3 =	simm.s32 @!p0 $0x1082;
	s9 =	sld [smem:$0x3FB3]  }
0x2f: {  	lr =	sadd.s32 s0, s3;
	s0 =	sld [smem:$0x3FAA]  }
0x30: {  	s3 =	sld [smem:$0x3FAD]  }
0x31: {  	[smem:$0x3FB6] =	sst s10  }
0x32: {  	s10 =	sld [smem:$0x3FB4];
	_ =	sdelay $0x3  }
0x33: {  	p0 =	seq.s32 s10, $0x1;
	s10 =	sld [smem:$0x3FB6];
	_ =	sdelay $0x3  }
0x34: {  	[smem:$0x3FB6] =	sst s10  }
0x35: {  	s10 =	sld [smem:$0x3FB5];
	_ =	sdelay $0x3  }
0x36: {  	p1 =	seq.s32 s10, $0x1;
	s10 =	sld [smem:$0x3FB6];
	_ =	sdelay $0x3  }
0x37: {  	[smem:$0x3FB6] =	sst s10  }
0x38: {  	s10 =	sld [smem:$0x3FB7]  }
0x39: {  	_ = 	snop;
	(pc) =	sbr.ind lr, $3  }
0x3a: {  	_ = 	snop  }
0x3b: {  	_ = 	snop  }
0x3c: {  	p2 =	seq.s32 s10, $0x1;
	s10 =	sld [smem:$0x3FB6]  }
0x3d: {  	_ =	shalt  }
0x3e: {  	_ =	shalt  }
0x3f: {  	_ =	shalt  }
0x40: {  	_ =	shalt  }
0x41: {  	_ =	shalt  }
0x42: {  	_ =	shalt  }
0x43: {  	_ =	shalt  }
0x44: {  	_ =	shalt  }
0x45: {  	_ =	shalt  }
0x46: {  	_ =	shalt  }
0x47: {  	_ =	shalt  }
0x48: {  	_ =	shalt  }
0x49: {  	_ =	shalt  }
0x4a: {  	_ =	shalt  }
0x4b: {  	_ =	shalt  }
0x4c: {  	_ =	shalt  }
0x4d: {  	_ =	shalt  }
0x4e: {  	_ =	shalt  }
0x4f: {  	_ =	shalt  }
0x50: {  	_ =	shalt  }
0x51: {  	_ =	shalt  }
0x52: {  	_ =	shalt  }
0x53: {  	_ =	shalt  }
0x54: {  	_ =	shalt  }
0x55: {  	_ =	shalt  }
0x56: {  	_ =	shalt  }
0x57: {  	_ =	shalt  }
0x58: {  	_ =	shalt  }
0x59: {  	_ =	shalt  }
0x5a: {  	_ =	shalt  }
0x5b: {  	_ =	shalt  }
0x5c: {  	_ =	shalt  }
0x5d: {  	_ =	shalt  }
0x5e: {  	_ =	shalt  }
0x5f: {  	_ =	shalt  }
0x60: {  	_ =	shalt  }
0x61: {  	_ =	shalt  }
0x62: {  	_ =	shalt  }
0x63: {  	_ =	shalt  }
0x64: {  	_ =	shalt  }
0x65: {  	_ =	shalt  }
0x66: {  	_ =	shalt  }
0x67: {  	_ =	shalt  }
0x68: {  	_ =	shalt  }
0x69: {  	_ =	shalt  }
0x6a: {  	_ =	shalt  }
0x6b: {  	_ =	shalt  }
0x6c: {  	_ =	shalt  }
0x6d: {  	_ =	shalt  }
0x6e: {  	_ =	shalt  }
0x6f: {  	_ =	shalt  }
0x70: {  	_ =	shalt  }
0x71: {  	_ =	shalt  }
0x72: {  	_ =	shalt  }
0x73: {  	_ =	shalt  }
0x74: {  	_ =	shalt  }
0x75: {  	_ =	shalt  }
0x76: {  	_ =	shalt  }
0x77: {  	_ =	shalt  }
0x78: {  	_ =	shalt  }
0x79: {  	_ =	shalt  }
0x7a: {  	_ =	shalt  }
0x7b: {  	_ =	shalt  }
0x7c: {  	_ =	shalt  }
0x7d: {  	_ =	shalt  }
0x7e: {  	_ =	shalt  }
0x7f: {  	_ =	shalt  }
0x80: {  	_ =	shalt  }
0x81: {  	_ =	shalt  }
0x82: {  	_ =	shalt  }
0x83: {  	_ =	shalt  }
0x84: {  	_ =	shalt  }
0x85: {  	_ =	shalt  }
0x86: {  	_ =	shalt  }
0x87: {  	_ =	shalt  }
.Lfunc_end0:
.L_simem_size_0:
called_computation_lowered:
.L_overlay_start_0:
0x88: {  	s2 =	sld [smem:$0x3FD9]  }
0x89: {  	s3 =	sld [smem:$0x3FFE];
	_ =	sdelay $0x1  }
0x8a: {  	s1 =	srdreg.scid  }
0x8b: {  	s0 =	sand.u32 $0x1, s1  }
0x8c: {  	s17 =	sshll.u32 s0, $0xA;
	s2 =	sadd.s32 s3, s2  }
0x8d: {  	s2 =	sadd.s32 s2, s17  }
0x8e: {  	[smem:$0x3FC2] =	sst s2  }
0x8f: {  	_ = 	snop  }
0x90: {  	s2 =	sld [smem:$0x3FC7]  }
0x91: {  	s18 =	sld [smem:$0x3FC6]  }
0x92: {  	s4 =	sld [smem:$0x3FC5];
	(tm) =	ssettm $0x1  }
0x93: {  	s5 =	sld [smem:$0x3FFB];
	_ =	sdelay $0x3  }
0x94: {  	_ =	strace s5  }
0x95: {  	s5 =	sld [smem:$0x3FFC];
	_ =	sdelay $0x3  }
0x96: {  	_ =	strace s5  }
0x97: {  	s5 =	sld [smem:$0x3FFD];
	_ =	sdelay $0x3  }
0x98: {  	_ =	strace s5  }
0x99: {  	_ =	strace $0x8FFFFFFF  }
0x9a: {  	s19 =	sld [smem:$0x3FDB];
	_ =	sdelay $0x1  }
0x9b: {  	s6 =	simm.s32 $_scs_section_size  }
0x9c: {  	s7 =	simm.s32 $_size__tile_overlayer_lowered;
	s8 =	simm.s32 $_tile_overlayer_lowered  }
0x9d: {  	s22 =	simm.s32 $0x1BFF;
	s21 =	sshll.u32 s8, $0x1;
	s5 =	sadd.s32 s6, s19  }
0x9e: {  	s9 =	simm.s32 $0x0;
	s20 =	sshll.u32 s7, $0x1;
	s7 =	sadd.s32 s21, s5  }
0x9f: {  	[timem:s9], [sflag:s22] =	dma.local [hbm:s7], s20  }
0xa0: {  	_ =	swait.ge [sflag:s22], s20  }
0xa1: {  	s6 =	ssub.s32 $0x0, s20;
	[sflag:s22] =	ssyncset.done $0x0  }
0xa2: {  	[sflag:s22] =	ssyncadd.s32 s6;
	_ =	sdelay $0x1  }
0xa3: {  	s23 =	simm.s32 $0x1B8B  }
0xa4: {  	_ =	swait.ge [sflag:s23], $0x1  }
0xa5: {  	[sflag:s23] =	ssyncset.done $0x0  }
0xa6: {  	s25 =	simm.s32 $0x1B8E;
	s24 =	sld [smem:$0x3FFE];
	[sflag:s23] =	ssyncadd.s32 $0xFFFFFFFF  }
0xa7: {  	s26 =	simm.s32 $execute0_lowered;
	[smem:$0x3FD2] =	sst s25  }
0xa8: {  	s7 =	sshll.u32 s26, $0x1;
	_ =	strace $0x80000046;
	[dreg:$0x1] =	wrdreg $0xFFFFFFFF  }
0xa9: {  	s28 =	simm.s32 $_size_execute0_lowered;
	s5 =	sadd.s32 s5, s7;
	[dreg:$0x0] =	wrdreg $0x0  }
0xaa: {  	s7 =	sshll.u32 s28, $0x1;
	[dreg:$0x2] =	wrdreg s5  }
0xab: {  	[dreg:$0x3] =	wrdreg s7  }
0xac: {  	[dreg:$0x4] =	wrdreg $0xC0  }
0xad: {  	_ =	task [dreg:s9], $0x5FFFF  }
0xae: {  	[dreg:$0x1] =	wrdreg $0xFFFFFFFF  }
0xaf: {  	[dreg:$0x0] =	wrdreg $0x60  }
0xb0: {  	[dreg:$0x2] =	wrdreg s24  }
0xb1: {  	[dreg:$0x3] =	wrdreg s2  }
0xb2: {  	[dreg:$0x4] =	wrdreg s18  }
0xb3: {  	[dreg:$0x5] =	wrdreg s4  }
0xb4: {  	[dreg:$0x6] =	wrdreg $0x9  }
0xb5: {  	_ =	task.clear_ibuf [dreg:s9], $0x7FFFF;
	_ =	strace $0x90000046  }
0xb6: {  	s29 =	simm.s32 $0x9;
	_ =	strace $0x80000048  }
0xb7: {  	_ =	swait.ge [sflag:s29], $0x1  }
0xb8: {  	[sflag:s29] =	ssyncadd.s32 $0xFFFFFFFF  }
0xb9: {  	_ =	strace $0x90000048  }
0xba: {  	_ =	sfence  }
0xbb: {  	s30 =	sld [smem:$0x0];
	_ =	sdelay $0x2  }
0xbc: {  	s31 =	sshll.u32 s1, $0xD;
	s1 =	sshrl.u32 s1, $0x2  }
0xbd: {  	s3 =	sand.u32 $0x4000, s31;
	s1 =	sadd.s32 s1, s30  }
0xbe: {  	s0 =	sor.u32 s3, s0;
	s1 =	sshll.u32 s1, $0x11  }
0xbf: {  	s0 =	sor.u32 s1, s0  }
0xc0: {  	s0 =	sadd.s32 $0x8F2B, s0  }
0xc1: {  	[sflag:s0] =	ssyncadd.remote.s32 $0x1  }
0xc2: {  	_ =	sfence.sel $0xFFFF  }
0xc3: {  	[dreg:$0x0] =	wrdreg $0xFFFFFFFF;
	(pc) =	sbr.abs _section_cstart, $3  }
0xc4: {  	[dreg:$0x1] =	wrdreg $0xFFFFFFFF  }
0xc5: {  	_ =	task.clear_ibuf [dreg:s9], $0x2FFFF;
	_ =	strace $0x9FFFFFFF  }
0xc6: {  	(tm) =	ssettm $0x7FFFFFFF  }
0xc7: {  	_ =	shalt  }
tec
execute0_lowered:
.L_overlay_start_1:
0x0: {  	(tag) =	ssettag $0x1  }
0x1: {  	s8 =	rddreg [dreg:$0x0]  }
0x2: {  	s1 =	rddreg [dreg:$0x1]  }
0x3: {  	s2 =	srdreg.scid;
	s3 =	rddreg [dreg:$0x2]  }
0x4: {  	s0 =	stileid.u32;
	s4 =	rddreg [dreg:$0x3]  }
0x5: {  	s5 =	simm.s32 $0x0;
	s7 =	simm.s32 $0x1;
	s16 =	simm.s32 $0x2000  }
0x6: {  	s17 =	simm.s32 $0x2040;
	s18 =	simm.s32 $0x4040;
	s19 =	simm.s32 $0x3  }
0x7: {  	s20 =	simm.s32 $0x2;
	s9 =	sand.u32 $0x1, s2;
	s30 =	sshll.u32 s0, $0x1  }
0x8: {  	s21 =	simm.s32 $0x0;
	s2 =	rddreg [dreg:$0x4];
	s10 =	sor.u32 s9, s30  }
0x9: {  	[smem:$0x7FF] =	sst s5;
	p1 =	seq.s32 s9, $0x1;
	p0 =	seq.s32 s10, $0x0  }
0xa: {  	s6 =	sadd.s32 $0x1200, s8;
	s12 =	sshll.u32 s9, $0x6;
	p0 =	por !p0, !p1  }
0xb: {  	s9 =	ssub.s32 $0x2, s9;
	s13 =	smul.u32 $0x960, s10;
	p0 =	por !p0, !p0  }
0xc: {  	_ =	strace $0x80000047;
	s14 =	sshrl.u32 s9, $0x1;
	s7 =	simm.s32 @!p0 $0x0  }
0xd: {  	s14 =	ssub.s32 s9, s14;
	s31 =	sshrl.u32 s13, $0x3;
	s7 =	ssub.s32 s0, s7  }
0xe: {  	s15 =	sadd.s32 $0x960, s13;
	v1 =	vmov s13;
	s13 =	simm.s32 $0x1000;
	s11 =	sshll.u32 s7, $0x7  }
0xf: {  	v0 =	vlaneseq.u32;
	v3 =	vmov s15;
	s15 =	simm.s32 $0x40;
	s11 =	sor.u32 s12, s11;
	s12 =	sadd.s32 s31, s8  }
0x10: {  	v4 =	vimm.f32 $0.0e+00;
	v5 =	vimm.f32 $1.000000000e+00;
	v2 =	vmul.u32 $0x80, v0;
	s7 =	simm.s32 $0x1;
	s11 =	sshrl.u32 s11, $0x3;
	s9 =	sadd.s32 $0x132A00, s12  }
0x11: {  	v7 =	vor.u32 $0x10, v0;
	v9 =	vor.u32 $0x20, v0;
	v11 =	vor.u32 $0x30, v0;
	s12 =	simm.s32 $0x800;
	s11 =	sadd.s32 s11, s8;
	s8 =	sshll.u32 s10, $0x6  }
0x12: {  	v6 =	vor.u32 $0x800, v2;
	v8 =	vor.u32 $0x1000, v2;
	v10 =	vor.u32 $0x1800, v2;
	s10 =	sadd.s32 $0x12D400, s11;
	s11 =	smax.u32 s14, $0x1;
	s14 =	simm.s32 $0x5580  }
.LBB2_1:
0x13: {  	[tilespmem:s5], [sflag:$0x1] =	stream.linear.gather [hbm4b:s1+s5], $0x800, $0x38;
	[tilespmem:$0x5EE0] =	vst v63  }
0x14: {  	_ = 	snop  }
0x15: {  	[tilespmem:s12], [sflag:$0x1] =	stream.linear.gather [hbm4b:s3+s5], $0x800, $0x38;
	[tilespmem:$0x5EE0] =	vst v63  }
0x16: {  	s22 =	simm.s32 $0x40;
	s23 =	simm.s32 $0x0  }
0x17: {  	[tilespmem:s13], [sflag:$0x1] =	stream.linear.gather [hbm4b:s4+s5], $0x800, $0x38;
	[tilespmem:$0x5EE0] =	vst v63  }
.LBB2_2:
0x18: {  	p0 =	sne.s32 s22, $0x2540;
	[tilespmem:s23+$0x5580] =	vst v4;
	s23 =	smov.u32 s22;
	s22 =	sadd.s32 $0x40, s22  }
.Ltmp0:
0x19: {  	(pc) =	sbr.rel @p0 .LBB2_2-.Ltmp0, $2  }
0x1a: {  	_ =	sdelay $0x2  }
0x1b: {  	s23 =	sshra.s32 s23, $0x2  }
0x1c: {  	[tilespmem:s23+$0x5580] =	vst v4  }
0x1d: {  	_ =	swait.ge [sflag:s7], $0x800  }
0x1e: {  	[sflag:s7] =	ssyncset.done $0x0  }
0x1f: {  	[sflag:s7] =	ssyncadd.s32 $0xFFFFF800  }
0x20: {  	_ =	swait.ge [sflag:s7], $0x800  }
0x21: {  	[sflag:s7] =	ssyncset.done $0x0  }
0x22: {  	[sflag:s7] =	ssyncadd.s32 $0xFFFFF800  }
0x23: {  	_ =	swait.ge [sflag:s7], $0x800  }
0x24: {  	[sflag:s7] =	ssyncset.done $0x0  }
0x25: {  	s22 =	simm.s32 $0x0;
	[sflag:s7] =	ssyncadd.s32 $0xFFFFF800  }
0x26: {  	s23 =	simm.s32 $0x40;
	v12 =	vld [tilespmem:s22+$0x800]  }
.LBB2_4:
0x27: {  	p0 =	sne.s32 s23, $0x1FC0;
	v13 =	vld [tilespmem:s22+$0x1000];
	_ =	sdelay $0x2  }
0x28: {  	v14 =	vld [tilespmem:s22+$0x0];
	_ =	sdelay $0x1  }
0x29: {  	v12 =	vmul.u32 $0xA0, v12;
	v13 =	vmul.u32 $0x6400, v13;
	_ =	sdelay $0x1  }
0x2a: {  	v12 =	vadd.s32 v13, v12  }
0x2b: {  	v12 =	vadd.s32 v14, v12  }
0x2c: {  	v13 =	vsub.s32 v12, v1  }
0x2d: {  	vm0 =	vge.s32 v12, v1;
	vm1 =	vlt.s32 v12, v3;
	vm2 =	vgt.s32 v13, $0x0  }
0x2e: {  	vm0 =	vmand vm0, vm1;
	v13 =	vnsel vm2, $0x0, v13  }
0x2f: {  	v13 =	vmin.u32 v13, $0x95F;
	_ =	sdelay $0x1  }
.Ltmp1:
0x30: {  	(pc) =	sbr.rel @p0 .LBB2_4-.Ltmp1, $4  }
0x31: {  	_ = 	snop  }
0x32: {  	[tilespmem:s22+$0x1800] =	vst v12  }
0x33: {  	s22 =	sshra.s32 s23, $0x2;
	[tilespmem:v13+s14+$0x0] =	vst.idx.msk vm0, v5  }
0x34: {  	s23 =	sadd.s32 $0x40, s23;
	v12 =	vld [tilespmem:s22+$0x800]  }
0x35: {  	v13 =	vld [tilespmem:s22+$0x1000];
	_ =	sdelay $0x2  }
0x36: {  	v14 =	vld [tilespmem:s22+$0x0];
	_ =	sdelay $0x1  }
0x37: {  	v12 =	vmul.u32 $0xA0, v12;
	v13 =	vmul.u32 $0x6400, v13;
	_ =	sdelay $0x1  }
0x38: {  	v12 =	vadd.s32 v13, v12  }
0x39: {  	v12 =	vadd.s32 v14, v12  }
0x3a: {  	v13 =	vsub.s32 v12, v1  }
0x3b: {  	vm0 =	vge.s32 v12, v1;
	vm1 =	vlt.s32 v12, v3;
	vm2 =	vgt.s32 v13, $0x0  }
0x3c: {  	vm0 =	vmand vm0, vm1;
	v13 =	vnsel vm2, $0x0, v13  }
0x3d: {  	v13 =	vmin.u32 v13, $0x95F;
	_ =	sdelay $0x3  }
0x3e: {  	[tilespmem:s22+$0x1800] =	vst v12  }
0x3f: {  	[tilespmem:v13+s14+$0x0] =	vst.idx.msk vm0, v5  }
0x40: {  	v12 =	vld [tilespmem:s8+$0x1800];
	_ =	sdelay $0x4  }
0x41: {  	[tilespmem:$0x2000] =	vst v12  }
0x42: {  	v12 =	vld [tilespmem:s8+$0x1810];
	_ =	sdelay $0x4  }
0x43: {  	[tilespmem:$0x2010] =	vst v12  }
0x44: {  	v12 =	vld [tilespmem:s8+$0x1820];
	_ =	sdelay $0x4  }
0x45: {  	[tilespmem:$0x2020] =	vst v12  }
0x46: {  	v12 =	vld [tilespmem:s8+$0x1830];
	_ =	sdelay $0x3  }
0x47: {  	s30 =	simm.s32 $0x0  }
0x48: {  	[tilespmem:$0x2030] =	vst v12;
	v12 =	vmov s30  }
0x49: {  	[hbm4b:s9+s30] =	stream.linear.scatter [tilespmem:s14], [sflag:$0x2], $0x960, $0x38;
	v13 =	vand.u32 $0x7F, v12;
	[tilespmem:$0x5EE0] =	vst v63  }
0x4a: {  	v14 =	vor.u32 v2, v13  }
0x4b: {  	[tilespmem:s17], [sflag:$0x1] =	stream.indirect.gather [hbm4b:s6+s15], $0x80, s16, s15, $0xb8;
	[tilespmem:$0x5EE0] =	vst v63  }
0x4c: {  	_ =	swait.ge [sflag:s7], $0x2000  }
0x4d: {  	[sflag:s7] =	ssyncset.done $0x0  }
0x4e: {  	v12 =	vshll.u32 v12, $0x6;
	[sflag:s7] =	ssyncadd.s32 $0xFFFFE000  }
0x4f: {  	v15 =	vor.u32 v0, v12;
	v14 =	vld.idx.msk [tilespmem:v14+s17+$0x0], $0xffff  }
0x50: {  	v16 =	vor.u32 v6, v13;
	_ =	sdelay $0x3  }
0x51: {  	[tilespmem:v15+s18+$0x0] =	vst.idx.msk $0xffff, v14  }
0x52: {  	v15 =	vor.u32 v7, v12;
	v14 =	vld.idx.msk [tilespmem:v16+s17+$0x0], $0xffff  }
0x53: {  	v62 =	vor.u32 v8, v13;
	_ =	sdelay $0x3  }
0x54: {  	[tilespmem:v15+s18+$0x0] =	vst.idx.msk $0xffff, v14  }
0x55: {  	v15 =	vor.u32 v9, v12;
	v14 =	vld.idx.msk [tilespmem:v62+s17+$0x0], $0xffff  }
0x56: {  	v63 =	vor.u32 v10, v13;
	_ =	sdelay $0x3  }
0x57: {  	s31 =	simm.s32 $0x1;
	[tilespmem:v15+s18+$0x0] =	vst.idx.msk $0xffff, v14  }
0x58: {  	s22 =	simm.s32 $0x2;
	v13 =	vmov s31;
	v14 =	vld.idx.msk [tilespmem:v63+s17+$0x0], $0xffff  }
.LBB2_6:
0x59: {  	p0 =	sne.s32 s22, $0x54;
	v15 =	vand.u32 $0x7F, v13;
	v12 =	vor.u32 v11, v12  }
0x5a: {  	v16 =	vor.u32 v2, v15;
	_ =	sdelay $0x3  }
0x5b: {  	[tilespmem:v12+s18+$0x0] =	vst.idx.msk $0xffff, v14  }
0x5c: {  	v12 =	vshll.u32 v13, $0x6;
	v14 =	vld.idx.msk [tilespmem:v16+s17+$0x0], $0xffff  }
0x5d: {  	v13 =	vor.u32 v0, v12  }
0x5e: {  	v16 =	vor.u32 v6, v15;
	_ =	sdelay $0x3  }
0x5f: {  	[tilespmem:v13+s18+$0x0] =	vst.idx.msk $0xffff, v14  }
0x60: {  	v13 =	vld.idx.msk [tilespmem:v16+s17+$0x0], $0xffff  }
0x61: {  	v14 =	vor.u32 v7, v12  }
0x62: {  	v16 =	vor.u32 v8, v15;
	_ =	sdelay $0x3  }
0x63: {  	[tilespmem:v14+s18+$0x0] =	vst.idx.msk $0xffff, v13  }
0x64: {  	v13 =	vld.idx.msk [tilespmem:v16+s17+$0x0], $0xffff  }
0x65: {  	v14 =	vor.u32 v9, v12  }
0x66: {  	v15 =	vor.u32 v10, v15  }
.Ltmp2:
0x67: {  	(pc) =	sbr.rel @p0 .LBB2_6-.Ltmp2, $3  }
0x68: {  	_ =	sdelay $0x1  }
0x69: {  	[tilespmem:v14+s18+$0x0] =	vst.idx.msk $0xffff, v13  }
0x6a: {  	v13 =	vmov s22;
	s22 =	sadd.s32 $0x1, s22;
	v14 =	vld.idx.msk [tilespmem:v15+s17+$0x0], $0xffff  }
0x6b: {  	v15 =	vand.u32 $0x7F, v13;
	v12 =	vor.u32 v11, v12  }
0x6c: {  	v16 =	vor.u32 v2, v15;
	_ =	sdelay $0x3  }
0x6d: {  	v57 =	vshll.u32 v13, $0x6;
	[tilespmem:v12+s18+$0x0] =	vst.idx.msk $0xffff, v14  }
0x6e: {  	v59 =	vor.u32 v0, v57;
	v58 =	vld.idx.msk [tilespmem:v16+s17+$0x0], $0xffff  }
0x6f: {  	v60 =	vor.u32 v6, v15;
	_ =	sdelay $0x3  }
0x70: {  	[tilespmem:v59+s18+$0x0] =	vst.idx.msk $0xffff, v58  }
0x71: {  	v61 =	vor.u32 v7, v57;
	v13 =	vld.idx.msk [tilespmem:v60+s17+$0x0], $0xffff  }
0x72: {  	v62 =	vor.u32 v8, v15;
	_ =	sdelay $0x3  }
0x73: {  	[tilespmem:v61+s18+$0x0] =	vst.idx.msk $0xffff, v13  }
0x74: {  	v63 =	vor.u32 v9, v57;
	v13 =	vld.idx.msk [tilespmem:v62+s17+$0x0], $0xffff  }
0x75: {  	v15 =	vor.u32 v10, v15;
	_ =	sdelay $0x3  }
0x76: {  	[tilespmem:v63+s18+$0x0] =	vst.idx.msk $0xffff, v13  }
0x77: {  	v12 =	vor.u32 v11, v57;
	v13 =	vld.idx.msk [tilespmem:v15+s17+$0x0], $0xffff;
	_ =	sdelay $0x4  }
0x78: {  	s21 =	sadd.s32 $0x1, s21;
	[tilespmem:v12+s18+$0x0] =	vst.idx.msk $0xffff, v13  }
0x79: {  	[hbm4b:s10+s15] =	stream.strided.scatter [tilespmem:s18], [sflag:$0x3], $0x1540, s12, s15, $0x38;
	[tilespmem:$0x5EE0] =	vst v63  }
0x7a: {  	p0 =	sne.s32 s21, s11;
	_ =	swait.ge [sflag:s19], $0x1540  }
.Ltmp3:
0x7b: {  	[sflag:s19] =	ssyncset.done $0x0;
	(pc) =	sbr.rel @p0 .LBB2_1-.Ltmp3, $4  }
0x7c: {  	[sflag:s19] =	ssyncadd.s32 $0xFFFFEAC0  }
0x7d: {  	_ =	swait.ge [sflag:s20], $0x960  }
0x7e: {  	[sflag:s20] =	ssyncset.done $0x0  }
0x7f: {  	[sflag:s20] =	ssyncadd.s32 $0xFFFFF6A0  }
0x80: {  	_ =	sfence.sel $0x180000  }
0x81: {  	[bflag:$0x0] =	sbarrier.arrive $0xFFFF  }
0x82: {  	p0 =	sne.s32 s0, $0x0;
	_ =	strace $0x90000047  }
0x83: {  	s0 =	sadd.s32 @!p0 $0x100000, s2;
	[bflag:$0x2] =	sbarrier.arrive $0xFFFF  }
0x84: {  	[sflag:s0] =	ssyncadd.tile.s32 @!p0 $0x1;
	_ =	shalt  }
.Lfunc_end2:
_tile_overlayer_lowered:
.L_overlay_start_2:
0x85: {  	(tag) =	ssettag $0x2  }
0x86: {  	s0 =	rddreg [dreg:$0x0];
	s2 =	stileid.u32  }
0x87: {  	s1 =	rddreg [dreg:$0x1];
	p0 =	sne.s32 s2, $0x0  }
0x88: {  	s3 =	rddreg [dreg:$0x2];
	[bflag:$0x3] =	sbarrier.arrive $0xFFFF;
	s2 =	simm.s32 @!p0 $0x1C03  }
0x89: {  	[timem:s3], [sflag:s2] =	dma.local @!p0 [hbm:s0], s1  }
0x8a: {  	s0 =	simm.s32 @!p0 $0x3  }
0x8b: {  	_ =	swait.ge @!p0 [sflag:s0], s1  }
0x8c: {  	s1 =	ssub.s32 @!p0 $0x0, s1;
	[sflag:s0] =	ssyncset.done @!p0 $0x0  }
0x8d: {  	[sflag:s0] =	ssyncadd.s32 @!p0 s1  }
0x8e: {  	[bflag:$0x3] =	sbarrier.arrive $0xFFFF  }
0x8f: {  	_ =	shalt  }

</sc_bundles>
